<compile_context>
chip_gen: v7x
topology: tpu7x:2x2x1
jax: 0.10.2.dev20260603
libtpu: 0.0.44.dev20260713+nightly
codegen_flags: <defaults>
</compile_context>

<pallas_src>
import functools

import jax
import jax.numpy as jnp
from jax import lax
from jax.experimental import pallas as pl
from jax.experimental.pallas import tpu as pltpu
from jax.experimental.pallas import tpu_sc as plsc

N_USERS = 100000
N_ITEMS = 100000
D_LAT = 128
D_IMG = 4096
B = 16384
REG = 1e-05

_NC = 2
_NS = 16
_NW = _NC * _NS
_BPW = B // _NW
_SCHUNK = 128
_GCHUNK = 16


def _sc_gather_all(users, items_pos, items_neg, uw, iw, uvw, img):
    mesh = plsc.VectorSubcoreMesh(core_axis_name="c", subcore_axis_name="s")

    @functools.partial(
        pl.kernel,
        mesh=mesh,
        out_type=[
            jax.ShapeDtypeStruct((B, D_LAT), jnp.float32),
            jax.ShapeDtypeStruct((B, D_LAT), jnp.float32),
            jax.ShapeDtypeStruct((B, D_LAT), jnp.float32),
            jax.ShapeDtypeStruct((B, D_LAT), jnp.float32),
            jax.ShapeDtypeStruct((B, D_IMG), jnp.float32),
            jax.ShapeDtypeStruct((B, D_IMG), jnp.float32),
        ],
        scratch_types=[
            pltpu.VMEM((_SCHUNK,), jnp.int32),
            pltpu.VMEM((_GCHUNK,), jnp.int32),
            pltpu.VMEM((_SCHUNK, D_LAT), jnp.float32),
            pltpu.VMEM((_GCHUNK, D_IMG), jnp.float32),
            pltpu.SemaphoreType.DMA,
        ],
    )
    def gather_kernel(users_h, ipos_h, ineg_h, uw_h, iw_h, uvw_h, img_h,
                      ulat_o, ilp_o, iln_o, uvis_o, gp_o, gn_o,
                      idx_s, idx_g, sbuf, gbuf, sem):
        wid = lax.axis_index("s") * _NC + lax.axis_index("c")
        base = wid * _BPW

        def small_body(c, carry):
            off = base + c * _SCHUNK
            pltpu.sync_copy(users_h.at[pl.ds(off, _SCHUNK)], idx_s)
            pltpu.async_copy(uw_h.at[idx_s], sbuf, sem).wait()
            pltpu.sync_copy(sbuf, ulat_o.at[pl.ds(off, _SCHUNK)])
            pltpu.async_copy(uvw_h.at[idx_s], sbuf, sem).wait()
            pltpu.sync_copy(sbuf, uvis_o.at[pl.ds(off, _SCHUNK)])
            pltpu.sync_copy(ipos_h.at[pl.ds(off, _SCHUNK)], idx_s)
            pltpu.async_copy(iw_h.at[idx_s], sbuf, sem).wait()
            pltpu.sync_copy(sbuf, ilp_o.at[pl.ds(off, _SCHUNK)])
            pltpu.sync_copy(ineg_h.at[pl.ds(off, _SCHUNK)], idx_s)
            pltpu.async_copy(iw_h.at[idx_s], sbuf, sem).wait()
            pltpu.sync_copy(sbuf, iln_o.at[pl.ds(off, _SCHUNK)])
            return carry

        lax.fori_loop(0, _BPW // _SCHUNK, small_body, 0)

        def big_body(c, carry):
            off = base + c * _GCHUNK
            pltpu.sync_copy(ipos_h.at[pl.ds(off, _GCHUNK)], idx_g)
            pltpu.async_copy(img_h.at[idx_g], gbuf, sem).wait()
            pltpu.sync_copy(gbuf, gp_o.at[pl.ds(off, _GCHUNK)])
            pltpu.sync_copy(ineg_h.at[pl.ds(off, _GCHUNK)], idx_g)
            pltpu.async_copy(img_h.at[idx_g], gbuf, sem).wait()
            pltpu.sync_copy(gbuf, gn_o.at[pl.ds(off, _GCHUNK)])
            return carry

        lax.fori_loop(0, _BPW // _GCHUNK, big_body, 0)

    return gather_kernel(users, items_pos, items_neg, uw, iw, uvw, img)


_R = 256


def _tc_loss_kernel(ulat, ilp, iln, uvis, gp, gn, te, bias,
                    base_o, reg_o):
    step = pl.program_id(0)
    te_v = te[...]
    bias_v = bias[...]
    u_vis = uvis[...]
    w = jnp.dot(u_vis, te_v, preferred_element_type=jnp.float32) + bias_v

    u_lat = ulat[...]
    sp = (jnp.sum(w * gp[...], axis=1, keepdims=True)
          + jnp.sum(u_lat * ilp[...], axis=1, keepdims=True))
    sn = (jnp.sum(w * gn[...], axis=1, keepdims=True)
          + jnp.sum(u_lat * iln[...], axis=1, keepdims=True))
    nd = sn - sp
    sploss = jnp.maximum(nd, 0.0) + jnp.log(1.0 + jnp.exp(-jnp.abs(nd)))
    base_part = jnp.sum(sploss) * (1.0 / B)
    reg_part = (0.5 * REG) * (
        jnp.sum(u_lat * u_lat) + jnp.sum(ilp[...] * ilp[...])
        + jnp.sum(iln[...] * iln[...]) + jnp.sum(u_vis * u_vis))

    @pl.when(step == 0)
    def _init():
        base_o[0, 0] = 0.0
        reg_o[0, 0] = (0.5 * REG) * (jnp.sum(bias_v * bias_v)
                                     + jnp.sum(te_v * te_v))

    base_o[0, 0] += base_part
    reg_o[0, 0] += reg_part


def kernel(users, items_pos, items_neg, embed_user_w, embed_item_w,
           embed_user_visual_w, imgfeat_item_visual, trans_e, bias_visual):
    users = users.astype(jnp.int32)
    items_pos = items_pos.astype(jnp.int32)
    items_neg = items_neg.astype(jnp.int32)

    ulat, ilp, iln, uvis, gp, gn = _sc_gather_all(
        users, items_pos, items_neg, embed_user_w, embed_item_w,
        embed_user_visual_w, imgfeat_item_visual)

    bias_row = bias_visual.reshape(1, D_IMG)
    grid = (B // _R,)
    row_blk = lambda i: (i, 0)
    rep_blk = lambda i: (0, 0)
    base_o, reg_o = pl.pallas_call(
        _tc_loss_kernel,
        grid=grid,
        in_specs=[
            pl.BlockSpec((_R, D_LAT), row_blk),
            pl.BlockSpec((_R, D_LAT), row_blk),
            pl.BlockSpec((_R, D_LAT), row_blk),
            pl.BlockSpec((_R, D_LAT), row_blk),
            pl.BlockSpec((_R, D_IMG), row_blk),
            pl.BlockSpec((_R, D_IMG), row_blk),
            pl.BlockSpec((D_LAT, D_IMG), rep_blk),
            pl.BlockSpec((1, D_IMG), rep_blk),
        ],
        out_specs=[
            pl.BlockSpec((1, 1), rep_blk, memory_space=pltpu.SMEM),
            pl.BlockSpec((1, 1), rep_blk, memory_space=pltpu.SMEM),
        ],
        out_shape=[
            jax.ShapeDtypeStruct((1, 1), jnp.float32),
            jax.ShapeDtypeStruct((1, 1), jnp.float32),
        ],
    )(ulat, ilp, iln, uvis, gp, gn, trans_e, bias_row)

    return (base_o[0, 0], reg_o[0, 0])

# --- scband reference (transcript-rebuilt; emitter-appended) ---
"""Pipeline reference for scband-vbpr-31379031065175 (READ-ONLY COPY).

The authoritative reference and input builder live on the scoring server;
editing this copy changes nothing except your own understanding.
"""

import jax, jax.numpy as jnp
import numpy as np

N_USERS = 100000
N_ITEMS = 100000
D_LAT = 128
D_VIS = 128
D_IMG = 4096
B = 16384
RATES_REG = (1e-05, 1e-05, 1e-05)


def _xavier(key, shape, gain):
    fan_in, fan_out = shape[1], shape[0]
    # torch xavier_uniform on a (rows, cols) matrix uses fan_in=cols, fan_out=rows
    a = gain * np.sqrt(6.0 / (shape[0] + shape[1]))
    return jax.random.uniform(key, shape, minval=-a, maxval=a, dtype=jnp.float32)


def setup_inputs(seed: int = 0) -> dict:
    key = jax.random.key(seed)
    ks = jax.random.split(key, 10)
    gain = np.sqrt(2.0)  # calculate_gain('relu')
    users = jax.random.randint(ks[0], (B,), 0, N_USERS, dtype=jnp.int64 if jax.config.jax_enable_x64 else jnp.int32)
    items_pos = jax.random.randint(ks[1], (B,), 0, N_ITEMS, dtype=users.dtype)
    items_neg = jax.random.randint(ks[2], (B,), 0, N_ITEMS, dtype=users.dtype)
    embed_user_w = _xavier(ks[3], (N_USERS, D_LAT), gain)
    embed_item_w = _xavier(ks[4], (N_ITEMS, D_LAT), gain)
    embed_user_visual_w = _xavier(ks[5], (N_USERS, D_VIS), gain)
    imgfeat_item_visual = jax.random.normal(ks[6], (N_ITEMS, D_IMG), dtype=jnp.float32)
    trans_e = _xavier(ks[7], (D_VIS, D_IMG), gain)
    bias_visual = _xavier(ks[8], (D_IMG, 1), gain)
    return {
        "users": users,
        "items_pos": items_pos,
        "items_neg": items_neg,
        "embed_user_w": embed_user_w,
        "embed_item_w": embed_item_w,
        "embed_user_visual_w": embed_user_visual_w,
        "imgfeat_item_visual": imgfeat_item_visual,
        "trans_e": trans_e,
        "bias_visual": bias_visual,
    }


def _l2_loss(x):
    return jnp.sum(jnp.sum(x * x, axis=1) / 2.0)


def reference(users, items_pos, items_neg, embed_user_w, embed_item_w,
              embed_user_visual_w, imgfeat_item_visual, trans_e, bias_visual):
    embed_user_lat = jnp.take(embed_user_w, users, axis=0)
    embed_item_lat_pos = jnp.take(embed_item_w, items_pos, axis=0)
    embed_item_lat_neg = jnp.take(embed_item_w, items_neg, axis=0)
    embed_user_vis = jnp.take(embed_user_visual_w, users, axis=0)
    imgfeat_item_vis_pos = jnp.take(imgfeat_item_visual, items_pos, axis=0)
    imgfeat_item_vis_neg = jnp.take(imgfeat_item_visual, items_neg, axis=0)

    score_lat_pos = jnp.sum(embed_user_lat * embed_item_lat_pos, axis=1, keepdims=True)
    score_lat_neg = jnp.sum(embed_user_lat * embed_item_lat_neg, axis=1, keepdims=True)

    embed_item_vis_pos = jnp.matmul(trans_e, imgfeat_item_vis_pos.T).T
    embed_item_vis_neg = jnp.matmul(trans_e, imgfeat_item_vis_neg.T).T

    score_vis_pos = jnp.sum(embed_user_vis * embed_item_vis_pos, axis=1, keepdims=True)
    score_vis_neg = jnp.sum(embed_user_vis * embed_item_vis_neg, axis=1, keepdims=True)

    bias_vis_pos = jnp.matmul(imgfeat_item_vis_pos, bias_visual)
    bias_vis_neg = jnp.matmul(imgfeat_item_vis_neg, bias_visual)

    score_pos = score_lat_pos + score_vis_pos + bias_vis_pos
    score_neg = score_lat_neg + score_vis_neg + bias_vis_neg

    loss_base = jnp.mean(-1.0 * jax.nn.log_sigmoid(score_pos - score_neg))

    loss_reg = 0.0
    loss_reg += RATES_REG[0] * _l2_loss(embed_user_lat)
    loss_reg += RATES_REG[0] * _l2_loss(embed_item_lat_pos)
    loss_reg += RATES_REG[0] * _l2_loss(embed_item_lat_neg)
    loss_reg += RATES_REG[0] * _l2_loss(embed_user_vis)
    loss_reg += RATES_REG[1] * _l2_loss(bias_visual)
    loss_reg += RATES_REG[2] * _l2_loss(trans_e)
    return (loss_base, loss_reg)

if __name__ == "__main__":
    import jax
    _d = setup_inputs()
    print(jax.jit(kernel)(*tuple(_d.values())))

</pallas_src>

<mosaic_0001>
#map = affine_map<(d0, d1) -> (0)>
#map1 = affine_map<(d0, d1) -> (0, 0)>
module attributes {stable_mosaic.version = 14 : i64} {
  func.func @gather_kernel(%arg0: i32, %arg1: i32, %arg2: memref<16384xi32, #tpu.memory_space<hbm>>, %arg3: memref<16384xi32, #tpu.memory_space<hbm>>, %arg4: memref<16384xi32, #tpu.memory_space<hbm>>, %arg5: memref<100000x128xf32, #tpu.memory_space<hbm>>, %arg6: memref<100000x128xf32, #tpu.memory_space<hbm>>, %arg7: memref<100000x128xf32, #tpu.memory_space<hbm>>, %arg8: memref<100000x4096xf32, #tpu.memory_space<hbm>>, %arg9: memref<16384x128xf32, #tpu.memory_space<hbm>>, %arg10: memref<16384x128xf32, #tpu.memory_space<hbm>>, %arg11: memref<16384x128xf32, #tpu.memory_space<hbm>>, %arg12: memref<16384x128xf32, #tpu.memory_space<hbm>>, %arg13: memref<16384x4096xf32, #tpu.memory_space<hbm>>, %arg14: memref<16384x4096xf32, #tpu.memory_space<hbm>>, %arg15: memref<128xi32, #tpu.memory_space<vmem>>, %arg16: memref<16xi32, #tpu.memory_space<vmem>>, %arg17: memref<128x128xf32, #tpu.memory_space<vmem>>, %arg18: memref<16x4096xf32, #tpu.memory_space<vmem>>, %arg19: memref<!tpu.dma_semaphore, #tpu.memory_space<semaphore_mem>>) attributes {dimension_semantics = [#tpu.dimension_semantics<core_parallel>, #tpu.dimension_semantics<subcore_parallel>], iteration_bounds = array<i64: 2, 16>, scalar_prefetch = 0 : i64, scratch_operands = 5 : i64, tpu.core_type = #tpu.core_type<sc_vector_subcore>, window_params = [{transform_indices = #map}, {transform_indices = #map}, {transform_indices = #map}, {transform_indices = #map1}, {transform_indices = #map1}, {transform_indices = #map1}, {transform_indices = #map1}, {transform_indices = #map1}, {transform_indices = #map1}, {transform_indices = #map1}, {transform_indices = #map1}, {transform_indices = #map1}, {transform_indices = #map1}]} {
    %mul3A = arith.constant 2 : i32
    %mul3A_0 = arith.muli %arg1, %mul3A : i32
    %add3A = arith.addi %mul3A_0, %arg0 : i32
    %mul3A_1 = arith.constant 512 : i32
    %mul3A_2 = arith.muli %add3A, %mul3A_1 : i32
    %scan3A = arith.constant 0 : i32
    %scan3A_3 = arith.constant 0 : i32
    %scan3A_4 = arith.constant 4 : i32
    %scan3A_5 = arith.addi %scan3A_3, %scan3A_4 : i32
    %scan3A_6 = arith.constant 1 : i32
    scf.for %scan3A_14 = %scan3A_3 to %scan3A_5 step %scan3A_6  : i32 {
      %mul3A_15 = arith.constant 128 : i32
      %mul3A_16 = arith.muli %scan3A_14, %mul3A_15 : i32
      %add3A_17 = arith.addi %mul3A_2, %mul3A_16 : i32
      "tpu.region"() ({
        %run_scoped3A = tpu.sem_alloc : memref<!tpu.dma_semaphore, #tpu.memory_space<semaphore_mem>>
        %dma_start3A_40 = tpu.memref_slice %arg2[%add3A_17] : memref<16384xi32, #tpu.memory_space<hbm>> -> memref<128xi32, #tpu.memory_space<hbm>>
        %dma_start3A_41 = tpu.memref_slice %arg2[%add3A_17] : memref<16384xi32, #tpu.memory_space<hbm>> -> memref<128xi32, #tpu.memory_space<hbm>>
        tpu.enqueue_dma source(%dma_start3A_41 : memref<128xi32, #tpu.memory_space<hbm>>) target(%arg15 : memref<128xi32, #tpu.memory_space<vmem>>) target_semaphore(%run_scoped3A : memref<!tpu.dma_semaphore, #tpu.memory_space<semaphore_mem>>)
        %dma_wait3A_42 = tpu.memref_slice %arg2[%add3A_17] : memref<16384xi32, #tpu.memory_space<hbm>> -> memref<128xi32, #tpu.memory_space<hbm>>
        %dma_wait3A_43 = tpu.memref_slice %arg2[%add3A_17] : memref<16384xi32, #tpu.memory_space<hbm>> -> memref<128xi32, #tpu.memory_space<hbm>>
        tpu.wait_dma2 semaphore(%run_scoped3A : memref<!tpu.dma_semaphore, #tpu.memory_space<semaphore_mem>>) src(%dma_wait3A_43 : memref<128xi32, #tpu.memory_space<hbm>>) dst(%arg15 : memref<128xi32, #tpu.memory_space<vmem>>)
        tpu.yield
      }) : () -> ()
      %dma_start3A = arith.constant 0 : i32
      %dma_start3A_18 = arith.constant 0 : i32
      %dma_start3A_19 = tpu.memref_slice %arg5[%dma_start3A, %dma_start3A_18] : memref<100000x128xf32, #tpu.memory_space<hbm>> -> memref<100000x128xf32, #tpu.memory_space<hbm>>
      tpu.enqueue_indirect_dma source(%dma_start3A_19 : memref<100000x128xf32, #tpu.memory_space<hbm>>) target(%arg17 : memref<128x128xf32, #tpu.memory_space<vmem>>) offsets(%arg15 : memref<128xi32, #tpu.memory_space<vmem>>) semaphore(%arg19 : memref<!tpu.dma_semaphore, #tpu.memory_space<semaphore_mem>>)
      %dma_wait3A = arith.constant 0 : i32
      %dma_wait3A_20 = arith.constant 0 : i32
      %dma_wait3A_21 = tpu.memref_slice %arg5[%dma_wait3A, %dma_wait3A_20] : memref<100000x128xf32, #tpu.memory_space<hbm>> -> memref<100000x128xf32, #tpu.memory_space<hbm>>
      tpu.wait_indirect_dma semaphore(%arg19 : memref<!tpu.dma_semaphore, #tpu.memory_space<semaphore_mem>>) src(%dma_wait3A_21 : memref<100000x128xf32, #tpu.memory_space<hbm>>) dst(%arg17 : memref<128x128xf32, #tpu.memory_space<vmem>>)
      "tpu.region"() ({
        %run_scoped3A = tpu.sem_alloc : memref<!tpu.dma_semaphore, #tpu.memory_space<semaphore_mem>>
        %dma_start3A_40 = arith.constant 0 : i32
        %dma_start3A_41 = tpu.memref_slice %arg9[%add3A_17, %dma_start3A_40] : memref<16384x128xf32, #tpu.memory_space<hbm>> -> memref<128x128xf32, #tpu.memory_space<hbm>>
        %dma_start3A_42 = arith.constant 0 : i32
        %dma_start3A_43 = tpu.memref_slice %arg9[%add3A_17, %dma_start3A_42] : memref<16384x128xf32, #tpu.memory_space<hbm>> -> memref<128x128xf32, #tpu.memory_space<hbm>>
        tpu.enqueue_dma source(%arg17 : memref<128x128xf32, #tpu.memory_space<vmem>>) target(%dma_start3A_43 : memref<128x128xf32, #tpu.memory_space<hbm>>) target_semaphore(%run_scoped3A : memref<!tpu.dma_semaphore, #tpu.memory_space<semaphore_mem>>)
        %dma_wait3A_44 = arith.constant 0 : i32
        %dma_wait3A_45 = tpu.memref_slice %arg9[%add3A_17, %dma_wait3A_44] : memref<16384x128xf32, #tpu.memory_space<hbm>> -> memref<128x128xf32, #tpu.memory_space<hbm>>
        %dma_wait3A_46 = arith.constant 0 : i32
        %dma_wait3A_47 = tpu.memref_slice %arg9[%add3A_17, %dma_wait3A_46] : memref<16384x128xf32, #tpu.memory_space<hbm>> -> memref<128x128xf32, #tpu.memory_space<hbm>>
        tpu.wait_dma2 semaphore(%run_scoped3A : memref<!tpu.dma_semaphore, #tpu.memory_space<semaphore_mem>>) src(%arg17 : memref<128x128xf32, #tpu.memory_space<vmem>>) dst(%dma_wait3A_47 : memref<128x128xf32, #tpu.memory_space<hbm>>)
        tpu.yield
      }) : () -> ()
      %dma_start3A_22 = arith.constant 0 : i32
      %dma_start3A_23 = arith.constant 0 : i32
      %dma_start3A_24 = tpu.memref_slice %arg7[%dma_start3A_22, %dma_start3A_23] : memref<100000x128xf32, #tpu.memory_space<hbm>> -> memref<100000x128xf32, #tpu.memory_space<hbm>>
      tpu.enqueue_indirect_dma source(%dma_start3A_24 : memref<100000x128xf32, #tpu.memory_space<hbm>>) target(%arg17 : memref<128x128xf32, #tpu.memory_space<vmem>>) offsets(%arg15 : memref<128xi32, #tpu.memory_space<vmem>>) semaphore(%arg19 : memref<!tpu.dma_semaphore, #tpu.memory_space<semaphore_mem>>)
      %dma_wait3A_25 = arith.constant 0 : i32
      %dma_wait3A_26 = arith.constant 0 : i32
      %dma_wait3A_27 = tpu.memref_slice %arg7[%dma_wait3A_25, %dma_wait3A_26] : memref<100000x128xf32, #tpu.memory_space<hbm>> -> memref<100000x128xf32, #tpu.memory_space<hbm>>
      tpu.wait_indirect_dma semaphore(%arg19 : memref<!tpu.dma_semaphore, #tpu.memory_space<semaphore_mem>>) src(%dma_wait3A_27 : memref<100000x128xf32, #tpu.memory_space<hbm>>) dst(%arg17 : memref<128x128xf32, #tpu.memory_space<vmem>>)
      "tpu.region"() ({
        %run_scoped3A = tpu.sem_alloc : memref<!tpu.dma_semaphore, #tpu.memory_space<semaphore_mem>>
        %dma_start3A_40 = arith.constant 0 : i32
        %dma_start3A_41 = tpu.memref_slice %arg12[%add3A_17, %dma_start3A_40] : memref<16384x128xf32, #tpu.memory_space<hbm>> -> memref<128x128xf32, #tpu.memory_space<hbm>>
        %dma_start3A_42 = arith.constant 0 : i32
        %dma_start3A_43 = tpu.memref_slice %arg12[%add3A_17, %dma_start3A_42] : memref<16384x128xf32, #tpu.memory_space<hbm>> -> memref<128x128xf32, #tpu.memory_space<hbm>>
        tpu.enqueue_dma source(%arg17 : memref<128x128xf32, #tpu.memory_space<vmem>>) target(%dma_start3A_43 : memref<128x128xf32, #tpu.memory_space<hbm>>) target_semaphore(%run_scoped3A : memref<!tpu.dma_semaphore, #tpu.memory_space<semaphore_mem>>)
        %dma_wait3A_44 = arith.constant 0 : i32
        %dma_wait3A_45 = tpu.memref_slice %arg12[%add3A_17, %dma_wait3A_44] : memref<16384x128xf32, #tpu.memory_space<hbm>> -> memref<128x128xf32, #tpu.memory_space<hbm>>
        %dma_wait3A_46 = arith.constant 0 : i32
        %dma_wait3A_47 = tpu.memref_slice %arg12[%add3A_17, %dma_wait3A_46] : memref<16384x128xf32, #tpu.memory_space<hbm>> -> memref<128x128xf32, #tpu.memory_space<hbm>>
        tpu.wait_dma2 semaphore(%run_scoped3A : memref<!tpu.dma_semaphore, #tpu.memory_space<semaphore_mem>>) src(%arg17 : memref<128x128xf32, #tpu.memory_space<vmem>>) dst(%dma_wait3A_47 : memref<128x128xf32, #tpu.memory_space<hbm>>)
        tpu.yield
      }) : () -> ()
      "tpu.region"() ({
        %run_scoped3A = tpu.sem_alloc : memref<!tpu.dma_semaphore, #tpu.memory_space<semaphore_mem>>
        %dma_start3A_40 = tpu.memref_slice %arg3[%add3A_17] : memref<16384xi32, #tpu.memory_space<hbm>> -> memref<128xi32, #tpu.memory_space<hbm>>
        %dma_start3A_41 = tpu.memref_slice %arg3[%add3A_17] : memref<16384xi32, #tpu.memory_space<hbm>> -> memref<128xi32, #tpu.memory_space<hbm>>
        tpu.enqueue_dma source(%dma_start3A_41 : memref<128xi32, #tpu.memory_space<hbm>>) target(%arg15 : memref<128xi32, #tpu.memory_space<vmem>>) target_semaphore(%run_scoped3A : memref<!tpu.dma_semaphore, #tpu.memory_space<semaphore_mem>>)
        %dma_wait3A_42 = tpu.memref_slice %arg3[%add3A_17] : memref<16384xi32, #tpu.memory_space<hbm>> -> memref<128xi32, #tpu.memory_space<hbm>>
        %dma_wait3A_43 = tpu.memref_slice %arg3[%add3A_17] : memref<16384xi32, #tpu.memory_space<hbm>> -> memref<128xi32, #tpu.memory_space<hbm>>
        tpu.wait_dma2 semaphore(%run_scoped3A : memref<!tpu.dma_semaphore, #tpu.memory_space<semaphore_mem>>) src(%dma_wait3A_43 : memref<128xi32, #tpu.memory_space<hbm>>) dst(%arg15 : memref<128xi32, #tpu.memory_space<vmem>>)
        tpu.yield
      }) : () -> ()
      %dma_start3A_28 = arith.constant 0 : i32
      %dma_start3A_29 = arith.constant 0 : i32
      %dma_start3A_30 = tpu.memref_slice %arg6[%dma_start3A_28, %dma_start3A_29] : memref<100000x128xf32, #tpu.memory_space<hbm>> -> memref<100000x128xf32, #tpu.memory_space<hbm>>
      tpu.enqueue_indirect_dma source(%dma_start3A_30 : memref<100000x128xf32, #tpu.memory_space<hbm>>) target(%arg17 : memref<128x128xf32, #tpu.memory_space<vmem>>) offsets(%arg15 : memref<128xi32, #tpu.memory_space<vmem>>) semaphore(%arg19 : memref<!tpu.dma_semaphore, #tpu.memory_space<semaphore_mem>>)
      %dma_wait3A_31 = arith.constant 0 : i32
      %dma_wait3A_32 = arith.constant 0 : i32
      %dma_wait3A_33 = tpu.memref_slice %arg6[%dma_wait3A_31, %dma_wait3A_32] : memref<100000x128xf32, #tpu.memory_space<hbm>> -> memref<100000x128xf32, #tpu.memory_space<hbm>>
      tpu.wait_indirect_dma semaphore(%arg19 : memref<!tpu.dma_semaphore, #tpu.memory_space<semaphore_mem>>) src(%dma_wait3A_33 : memref<100000x128xf32, #tpu.memory_space<hbm>>) dst(%arg17 : memref<128x128xf32, #tpu.memory_space<vmem>>)
      "tpu.region"() ({
        %run_scoped3A = tpu.sem_alloc : memref<!tpu.dma_semaphore, #tpu.memory_space<semaphore_mem>>
        %dma_start3A_40 = arith.constant 0 : i32
        %dma_start3A_41 = tpu.memref_slice %arg10[%add3A_17, %dma_start3A_40] : memref<16384x128xf32, #tpu.memory_space<hbm>> -> memref<128x128xf32, #tpu.memory_space<hbm>>
        %dma_start3A_42 = arith.constant 0 : i32
        %dma_start3A_43 = tpu.memref_slice %arg10[%add3A_17, %dma_start3A_42] : memref<16384x128xf32, #tpu.memory_space<hbm>> -> memref<128x128xf32, #tpu.memory_space<hbm>>
        tpu.enqueue_dma source(%arg17 : memref<128x128xf32, #tpu.memory_space<vmem>>) target(%dma_start3A_43 : memref<128x128xf32, #tpu.memory_space<hbm>>) target_semaphore(%run_scoped3A : memref<!tpu.dma_semaphore, #tpu.memory_space<semaphore_mem>>)
        %dma_wait3A_44 = arith.constant 0 : i32
        %dma_wait3A_45 = tpu.memref_slice %arg10[%add3A_17, %dma_wait3A_44] : memref<16384x128xf32, #tpu.memory_space<hbm>> -> memref<128x128xf32, #tpu.memory_space<hbm>>
        %dma_wait3A_46 = arith.constant 0 : i32
        %dma_wait3A_47 = tpu.memref_slice %arg10[%add3A_17, %dma_wait3A_46] : memref<16384x128xf32, #tpu.memory_space<hbm>> -> memref<128x128xf32, #tpu.memory_space<hbm>>
        tpu.wait_dma2 semaphore(%run_scoped3A : memref<!tpu.dma_semaphore, #tpu.memory_space<semaphore_mem>>) src(%arg17 : memref<128x128xf32, #tpu.memory_space<vmem>>) dst(%dma_wait3A_47 : memref<128x128xf32, #tpu.memory_space<hbm>>)
        tpu.yield
      }) : () -> ()
      "tpu.region"() ({
        %run_scoped3A = tpu.sem_alloc : memref<!tpu.dma_semaphore, #tpu.memory_space<semaphore_mem>>
        %dma_start3A_40 = tpu.memref_slice %arg4[%add3A_17] : memref<16384xi32, #tpu.memory_space<hbm>> -> memref<128xi32, #tpu.memory_space<hbm>>
        %dma_start3A_41 = tpu.memref_slice %arg4[%add3A_17] : memref<16384xi32, #tpu.memory_space<hbm>> -> memref<128xi32, #tpu.memory_space<hbm>>
        tpu.enqueue_dma source(%dma_start3A_41 : memref<128xi32, #tpu.memory_space<hbm>>) target(%arg15 : memref<128xi32, #tpu.memory_space<vmem>>) target_semaphore(%run_scoped3A : memref<!tpu.dma_semaphore, #tpu.memory_space<semaphore_mem>>)
        %dma_wait3A_42 = tpu.memref_slice %arg4[%add3A_17] : memref<16384xi32, #tpu.memory_space<hbm>> -> memref<128xi32, #tpu.memory_space<hbm>>
        %dma_wait3A_43 = tpu.memref_slice %arg4[%add3A_17] : memref<16384xi32, #tpu.memory_space<hbm>> -> memref<128xi32, #tpu.memory_space<hbm>>
        tpu.wait_dma2 semaphore(%run_scoped3A : memref<!tpu.dma_semaphore, #tpu.memory_space<semaphore_mem>>) src(%dma_wait3A_43 : memref<128xi32, #tpu.memory_space<hbm>>) dst(%arg15 : memref<128xi32, #tpu.memory_space<vmem>>)
        tpu.yield
      }) : () -> ()
      %dma_start3A_34 = arith.constant 0 : i32
      %dma_start3A_35 = arith.constant 0 : i32
      %dma_start3A_36 = tpu.memref_slice %arg6[%dma_start3A_34, %dma_start3A_35] : memref<100000x128xf32, #tpu.memory_space<hbm>> -> memref<100000x128xf32, #tpu.memory_space<hbm>>
      tpu.enqueue_indirect_dma source(%dma_start3A_36 : memref<100000x128xf32, #tpu.memory_space<hbm>>) target(%arg17 : memref<128x128xf32, #tpu.memory_space<vmem>>) offsets(%arg15 : memref<128xi32, #tpu.memory_space<vmem>>) semaphore(%arg19 : memref<!tpu.dma_semaphore, #tpu.memory_space<semaphore_mem>>)
      %dma_wait3A_37 = arith.constant 0 : i32
      %dma_wait3A_38 = arith.constant 0 : i32
      %dma_wait3A_39 = tpu.memref_slice %arg6[%dma_wait3A_37, %dma_wait3A_38] : memref<100000x128xf32, #tpu.memory_space<hbm>> -> memref<100000x128xf32, #tpu.memory_space<hbm>>
      tpu.wait_indirect_dma semaphore(%arg19 : memref<!tpu.dma_semaphore, #tpu.memory_space<semaphore_mem>>) src(%dma_wait3A_39 : memref<100000x128xf32, #tpu.memory_space<hbm>>) dst(%arg17 : memref<128x128xf32, #tpu.memory_space<vmem>>)
      "tpu.region"() ({
        %run_scoped3A = tpu.sem_alloc : memref<!tpu.dma_semaphore, #tpu.memory_space<semaphore_mem>>
        %dma_start3A_40 = arith.constant 0 : i32
        %dma_start3A_41 = tpu.memref_slice %arg11[%add3A_17, %dma_start3A_40] : memref<16384x128xf32, #tpu.memory_space<hbm>> -> memref<128x128xf32, #tpu.memory_space<hbm>>
        %dma_start3A_42 = arith.constant 0 : i32
        %dma_start3A_43 = tpu.memref_slice %arg11[%add3A_17, %dma_start3A_42] : memref<16384x128xf32, #tpu.memory_space<hbm>> -> memref<128x128xf32, #tpu.memory_space<hbm>>
        tpu.enqueue_dma source(%arg17 : memref<128x128xf32, #tpu.memory_space<vmem>>) target(%dma_start3A_43 : memref<128x128xf32, #tpu.memory_space<hbm>>) target_semaphore(%run_scoped3A : memref<!tpu.dma_semaphore, #tpu.memory_space<semaphore_mem>>)
        %dma_wait3A_44 = arith.constant 0 : i32
        %dma_wait3A_45 = tpu.memref_slice %arg11[%add3A_17, %dma_wait3A_44] : memref<16384x128xf32, #tpu.memory_space<hbm>> -> memref<128x128xf32, #tpu.memory_space<hbm>>
        %dma_wait3A_46 = arith.constant 0 : i32
        %dma_wait3A_47 = tpu.memref_slice %arg11[%add3A_17, %dma_wait3A_46] : memref<16384x128xf32, #tpu.memory_space<hbm>> -> memref<128x128xf32, #tpu.memory_space<hbm>>
        tpu.wait_dma2 semaphore(%run_scoped3A : memref<!tpu.dma_semaphore, #tpu.memory_space<semaphore_mem>>) src(%arg17 : memref<128x128xf32, #tpu.memory_space<vmem>>) dst(%dma_wait3A_47 : memref<128x128xf32, #tpu.memory_space<hbm>>)
        tpu.yield
      }) : () -> ()
    }
    %scan3A_7 = arith.constant 4 : i32
    %scan3A_8 = arith.constant 0 : i32
    %scan3A_9 = arith.constant 0 : i32
    %scan3A_10 = arith.constant 32 : i32
    %scan3A_11 = arith.addi %scan3A_9, %scan3A_10 : i32
    %scan3A_12 = arith.constant 1 : i32
    scf.for %scan3A_14 = %scan3A_9 to %scan3A_11 step %scan3A_12  : i32 {
      %mul3A_15 = arith.constant 16 : i32
      %mul3A_16 = arith.muli %scan3A_14, %mul3A_15 : i32
      %add3A_17 = arith.addi %mul3A_2, %mul3A_16 : i32
      "tpu.region"() ({
        %run_scoped3A = tpu.sem_alloc : memref<!tpu.dma_semaphore, #tpu.memory_space<semaphore_mem>>
        %dma_start3A_28 = tpu.memref_slice %arg3[%add3A_17] : memref<16384xi32, #tpu.memory_space<hbm>> -> memref<16xi32, #tpu.memory_space<hbm>>
        %dma_start3A_29 = tpu.memref_slice %arg3[%add3A_17] : memref<16384xi32, #tpu.memory_space<hbm>> -> memref<16xi32, #tpu.memory_space<hbm>>
        tpu.enqueue_dma source(%dma_start3A_29 : memref<16xi32, #tpu.memory_space<hbm>>) target(%arg16 : memref<16xi32, #tpu.memory_space<vmem>>) target_semaphore(%run_scoped3A : memref<!tpu.dma_semaphore, #tpu.memory_space<semaphore_mem>>)
        %dma_wait3A_30 = tpu.memref_slice %arg3[%add3A_17] : memref<16384xi32, #tpu.memory_space<hbm>> -> memref<16xi32, #tpu.memory_space<hbm>>
        %dma_wait3A_31 = tpu.memref_slice %arg3[%add3A_17] : memref<16384xi32, #tpu.memory_space<hbm>> -> memref<16xi32, #tpu.memory_space<hbm>>
        tpu.wait_dma2 semaphore(%run_scoped3A : memref<!tpu.dma_semaphore, #tpu.memory_space<semaphore_mem>>) src(%dma_wait3A_31 : memref<16xi32, #tpu.memory_space<hbm>>) dst(%arg16 : memref<16xi32, #tpu.memory_space<vmem>>)
        tpu.yield
      }) : () -> ()
      %dma_start3A = arith.constant 0 : i32
      %dma_start3A_18 = arith.constant 0 : i32
      %dma_start3A_19 = tpu.memref_slice %arg8[%dma_start3A, %dma_start3A_18] : memref<100000x4096xf32, #tpu.memory_space<hbm>> -> memref<100000x4096xf32, #tpu.memory_space<hbm>>
      tpu.enqueue_indirect_dma source(%dma_start3A_19 : memref<100000x4096xf32, #tpu.memory_space<hbm>>) target(%arg18 : memref<16x4096xf32, #tpu.memory_space<vmem>>) offsets(%arg16 : memref<16xi32, #tpu.memory_space<vmem>>) semaphore(%arg19 : memref<!tpu.dma_semaphore, #tpu.memory_space<semaphore_mem>>)
      %dma_wait3A = arith.constant 0 : i32
      %dma_wait3A_20 = arith.constant 0 : i32
      %dma_wait3A_21 = tpu.memref_slice %arg8[%dma_wait3A, %dma_wait3A_20] : memref<100000x4096xf32, #tpu.memory_space<hbm>> -> memref<100000x4096xf32, #tpu.memory_space<hbm>>
      tpu.wait_indirect_dma semaphore(%arg19 : memref<!tpu.dma_semaphore, #tpu.memory_space<semaphore_mem>>) src(%dma_wait3A_21 : memref<100000x4096xf32, #tpu.memory_space<hbm>>) dst(%arg18 : memref<16x4096xf32, #tpu.memory_space<vmem>>)
      "tpu.region"() ({
        %run_scoped3A = tpu.sem_alloc : memref<!tpu.dma_semaphore, #tpu.memory_space<semaphore_mem>>
        %dma_start3A_28 = arith.constant 0 : i32
        %dma_start3A_29 = tpu.memref_slice %arg13[%add3A_17, %dma_start3A_28] : memref<16384x4096xf32, #tpu.memory_space<hbm>> -> memref<16x4096xf32, #tpu.memory_space<hbm>>
        %dma_start3A_30 = arith.constant 0 : i32
        %dma_start3A_31 = tpu.memref_slice %arg13[%add3A_17, %dma_start3A_30] : memref<16384x4096xf32, #tpu.memory_space<hbm>> -> memref<16x4096xf32, #tpu.memory_space<hbm>>
        tpu.enqueue_dma source(%arg18 : memref<16x4096xf32, #tpu.memory_space<vmem>>) target(%dma_start3A_31 : memref<16x4096xf32, #tpu.memory_space<hbm>>) target_semaphore(%run_scoped3A : memref<!tpu.dma_semaphore, #tpu.memory_space<semaphore_mem>>)
        %dma_wait3A_32 = arith.constant 0 : i32
        %dma_wait3A_33 = tpu.memref_slice %arg13[%add3A_17, %dma_wait3A_32] : memref<16384x4096xf32, #tpu.memory_space<hbm>> -> memref<16x4096xf32, #tpu.memory_space<hbm>>
        %dma_wait3A_34 = arith.constant 0 : i32
        %dma_wait3A_35 = tpu.memref_slice %arg13[%add3A_17, %dma_wait3A_34] : memref<16384x4096xf32, #tpu.memory_space<hbm>> -> memref<16x4096xf32, #tpu.memory_space<hbm>>
        tpu.wait_dma2 semaphore(%run_scoped3A : memref<!tpu.dma_semaphore, #tpu.memory_space<semaphore_mem>>) src(%arg18 : memref<16x4096xf32, #tpu.memory_space<vmem>>) dst(%dma_wait3A_35 : memref<16x4096xf32, #tpu.memory_space<hbm>>)
        tpu.yield
      }) : () -> ()
      "tpu.region"() ({
        %run_scoped3A = tpu.sem_alloc : memref<!tpu.dma_semaphore, #tpu.memory_space<semaphore_mem>>
        %dma_start3A_28 = tpu.memref_slice %arg4[%add3A_17] : memref<16384xi32, #tpu.memory_space<hbm>> -> memref<16xi32, #tpu.memory_space<hbm>>
        %dma_start3A_29 = tpu.memref_slice %arg4[%add3A_17] : memref<16384xi32, #tpu.memory_space<hbm>> -> memref<16xi32, #tpu.memory_space<hbm>>
        tpu.enqueue_dma source(%dma_start3A_29 : memref<16xi32, #tpu.memory_space<hbm>>) target(%arg16 : memref<16xi32, #tpu.memory_space<vmem>>) target_semaphore(%run_scoped3A : memref<!tpu.dma_semaphore, #tpu.memory_space<semaphore_mem>>)
        %dma_wait3A_30 = tpu.memref_slice %arg4[%add3A_17] : memref<16384xi32, #tpu.memory_space<hbm>> -> memref<16xi32, #tpu.memory_space<hbm>>
        %dma_wait3A_31 = tpu.memref_slice %arg4[%add3A_17] : memref<16384xi32, #tpu.memory_space<hbm>> -> memref<16xi32, #tpu.memory_space<hbm>>
        tpu.wait_dma2 semaphore(%run_scoped3A : memref<!tpu.dma_semaphore, #tpu.memory_space<semaphore_mem>>) src(%dma_wait3A_31 : memref<16xi32, #tpu.memory_space<hbm>>) dst(%arg16 : memref<16xi32, #tpu.memory_space<vmem>>)
        tpu.yield
      }) : () -> ()
      %dma_start3A_22 = arith.constant 0 : i32
      %dma_start3A_23 = arith.constant 0 : i32
      %dma_start3A_24 = tpu.memref_slice %arg8[%dma_start3A_22, %dma_start3A_23] : memref<100000x4096xf32, #tpu.memory_space<hbm>> -> memref<100000x4096xf32, #tpu.memory_space<hbm>>
      tpu.enqueue_indirect_dma source(%dma_start3A_24 : memref<100000x4096xf32, #tpu.memory_space<hbm>>) target(%arg18 : memref<16x4096xf32, #tpu.memory_space<vmem>>) offsets(%arg16 : memref<16xi32, #tpu.memory_space<vmem>>) semaphore(%arg19 : memref<!tpu.dma_semaphore, #tpu.memory_space<semaphore_mem>>)
      %dma_wait3A_25 = arith.constant 0 : i32
      %dma_wait3A_26 = arith.constant 0 : i32
      %dma_wait3A_27 = tpu.memref_slice %arg8[%dma_wait3A_25, %dma_wait3A_26] : memref<100000x4096xf32, #tpu.memory_space<hbm>> -> memref<100000x4096xf32, #tpu.memory_space<hbm>>
      tpu.wait_indirect_dma semaphore(%arg19 : memref<!tpu.dma_semaphore, #tpu.memory_space<semaphore_mem>>) src(%dma_wait3A_27 : memref<100000x4096xf32, #tpu.memory_space<hbm>>) dst(%arg18 : memref<16x4096xf32, #tpu.memory_space<vmem>>)
      "tpu.region"() ({
        %run_scoped3A = tpu.sem_alloc : memref<!tpu.dma_semaphore, #tpu.memory_space<semaphore_mem>>
        %dma_start3A_28 = arith.constant 0 : i32
        %dma_start3A_29 = tpu.memref_slice %arg14[%add3A_17, %dma_start3A_28] : memref<16384x4096xf32, #tpu.memory_space<hbm>> -> memref<16x4096xf32, #tpu.memory_space<hbm>>
        %dma_start3A_30 = arith.constant 0 : i32
        %dma_start3A_31 = tpu.memref_slice %arg14[%add3A_17, %dma_start3A_30] : memref<16384x4096xf32, #tpu.memory_space<hbm>> -> memref<16x4096xf32, #tpu.memory_space<hbm>>
        tpu.enqueue_dma source(%arg18 : memref<16x4096xf32, #tpu.memory_space<vmem>>) target(%dma_start3A_31 : memref<16x4096xf32, #tpu.memory_space<hbm>>) target_semaphore(%run_scoped3A : memref<!tpu.dma_semaphore, #tpu.memory_space<semaphore_mem>>)
        %dma_wait3A_32 = arith.constant 0 : i32
        %dma_wait3A_33 = tpu.memref_slice %arg14[%add3A_17, %dma_wait3A_32] : memref<16384x4096xf32, #tpu.memory_space<hbm>> -> memref<16x4096xf32, #tpu.memory_space<hbm>>
        %dma_wait3A_34 = arith.constant 0 : i32
        %dma_wait3A_35 = tpu.memref_slice %arg14[%add3A_17, %dma_wait3A_34] : memref<16384x4096xf32, #tpu.memory_space<hbm>> -> memref<16x4096xf32, #tpu.memory_space<hbm>>
        tpu.wait_dma2 semaphore(%run_scoped3A : memref<!tpu.dma_semaphore, #tpu.memory_space<semaphore_mem>>) src(%arg18 : memref<16x4096xf32, #tpu.memory_space<vmem>>) dst(%dma_wait3A_35 : memref<16x4096xf32, #tpu.memory_space<hbm>>)
        tpu.yield
      }) : () -> ()
    }
    %scan3A_13 = arith.constant 32 : i32
    return
  }
}

module attributes {stable_mosaic.version = 14 : i64} {
  func.func @_tc_loss_kernel(%arg0: i32, %arg1: memref<256x128xf32, #tpu.memory_space<vmem>>, %arg2: memref<256x128xf32, #tpu.memory_space<vmem>>, %arg3: memref<256x128xf32, #tpu.memory_space<vmem>>, %arg4: memref<256x128xf32, #tpu.memory_space<vmem>>, %arg5: memref<256x4096xf32, #tpu.memory_space<vmem>>, %arg6: memref<256x4096xf32, #tpu.memory_space<vmem>>, %arg7: memref<128x4096xf32, #tpu.memory_space<vmem>>, %arg8: memref<1x4096xf32, #tpu.memory_space<vmem>>, %arg9: memref<1x1xf32, #tpu.memory_space<smem>>, %arg10: memref<1x1xf32, #tpu.memory_space<smem>>) attributes {dimension_semantics = [#tpu.dimension_semantics<arbitrary>], iteration_bounds = array<i64: 64>, scalar_prefetch = 0 : i64, scratch_operands = 0 : i64, tpu.core_type = #tpu.core_type<tc>, window_params = [{transform_indices = @transform_0, window_bounds = array<i64: 256, 128>}, {transform_indices = @transform_1, window_bounds = array<i64: 256, 128>}, {transform_indices = @transform_2, window_bounds = array<i64: 256, 128>}, {transform_indices = @transform_3, window_bounds = array<i64: 256, 128>}, {transform_indices = @transform_4, window_bounds = array<i64: 256, 4096>}, {transform_indices = @transform_5, window_bounds = array<i64: 256, 4096>}, {pipeline_mode = #tpu.pipeline_mode<synchronous>, transform_indices = @transform_6, window_bounds = array<i64: 128, 4096>}, {pipeline_mode = #tpu.pipeline_mode<synchronous>, transform_indices = @transform_7, window_bounds = array<i64: 1, 4096>}, {transform_indices = @transform_8, window_bounds = array<i64: 1, 1>}, {transform_indices = @transform_9, window_bounds = array<i64: 1, 1>}]} {
    %get3A = arith.constant 0 : index
    %get3A_0 = arith.constant 0 : index
    %get3A_1 = vector.load %arg7[%get3A, %get3A_0] : memref<128x4096xf32, #tpu.memory_space<vmem>>, vector<128x4096xf32>
    %get3A_2 = arith.constant 0 : index
    %get3A_3 = arith.constant 0 : index
    %get3A_4 = vector.load %arg8[%get3A_2, %get3A_3] : memref<1x4096xf32, #tpu.memory_space<vmem>>, vector<1x4096xf32>
    %get3A_5 = arith.constant 0 : index
    %get3A_6 = arith.constant 0 : index
    %get3A_7 = vector.load %arg4[%get3A_5, %get3A_6] : memref<256x128xf32, #tpu.memory_space<vmem>>, vector<256x128xf32>
    %dot_general3A = arith.constant dense<0.000000e+00> : vector<256x4096xf32>
    %dot_general3A_8 = tpu.matmul %get3A_7, %get3A_1, %dot_general3A {dimension_numbers = #tpu.dot_dimension_numbers<[1], [0], [0], [1], [0, 0, 1, 1], [], []>, transpose_lhs_hint = false} : vector<256x128xf32>, vector<128x4096xf32>, vector<256x4096xf32> -> vector<256x4096xf32>
    %add3A = vector.broadcast %get3A_4 : vector<1x4096xf32> to vector<256x4096xf32>
    %add3A_9 = arith.addf %dot_general3A_8, %add3A : vector<256x4096xf32>
    %get3A_10 = arith.constant 0 : index
    %get3A_11 = arith.constant 0 : index
    %get3A_12 = vector.load %arg1[%get3A_10, %get3A_11] : memref<256x128xf32, #tpu.memory_space<vmem>>, vector<256x128xf32>
    %get3A_13 = arith.constant 0 : index
    %get3A_14 = arith.constant 0 : index
    %get3A_15 = vector.load %arg5[%get3A_13, %get3A_14] : memref<256x4096xf32, #tpu.memory_space<vmem>>, vector<256x4096xf32>
    %mul3A = arith.mulf %add3A_9, %get3A_15 : vector<256x4096xf32>
    %reduce_sum3A = arith.constant dense<0.000000e+00> : vector<256xf32>
    %reduce_sum3A_16 = vector.multi_reduction <add>, %mul3A, %reduce_sum3A [1] : vector<256x4096xf32> to vector<256xf32>
    %broadcast_in_dim3A = vector.shape_cast %reduce_sum3A_16 : vector<256xf32> to vector<256x1xf32>
    %get3A_17 = arith.constant 0 : index
    %get3A_18 = arith.constant 0 : index
    %get3A_19 = vector.load %arg2[%get3A_17, %get3A_18] : memref<256x128xf32, #tpu.memory_space<vmem>>, vector<256x128xf32>
    %mul3A_20 = arith.mulf %get3A_12, %get3A_19 : vector<256x128xf32>
    %reduce_sum3A_21 = arith.constant dense<0.000000e+00> : vector<256xf32>
    %reduce_sum3A_22 = vector.multi_reduction <add>, %mul3A_20, %reduce_sum3A_21 [1] : vector<256x128xf32> to vector<256xf32>
    %broadcast_in_dim3A_23 = vector.shape_cast %reduce_sum3A_22 : vector<256xf32> to vector<256x1xf32>
    %add3A_24 = arith.addf %broadcast_in_dim3A, %broadcast_in_dim3A_23 : vector<256x1xf32>
    %get3A_25 = arith.constant 0 : index
    %get3A_26 = arith.constant 0 : index
    %get3A_27 = vector.load %arg6[%get3A_25, %get3A_26] : memref<256x4096xf32, #tpu.memory_space<vmem>>, vector<256x4096xf32>
    %mul3A_28 = arith.mulf %add3A_9, %get3A_27 : vector<256x4096xf32>
    %reduce_sum3A_29 = arith.constant dense<0.000000e+00> : vector<256xf32>
    %reduce_sum3A_30 = vector.multi_reduction <add>, %mul3A_28, %reduce_sum3A_29 [1] : vector<256x4096xf32> to vector<256xf32>
    %broadcast_in_dim3A_31 = vector.shape_cast %reduce_sum3A_30 : vector<256xf32> to vector<256x1xf32>
    %get3A_32 = arith.constant 0 : index
    %get3A_33 = arith.constant 0 : index
    %get3A_34 = vector.load %arg3[%get3A_32, %get3A_33] : memref<256x128xf32, #tpu.memory_space<vmem>>, vector<256x128xf32>
    %mul3A_35 = arith.mulf %get3A_12, %get3A_34 : vector<256x128xf32>
    %reduce_sum3A_36 = arith.constant dense<0.000000e+00> : vector<256xf32>
    %reduce_sum3A_37 = vector.multi_reduction <add>, %mul3A_35, %reduce_sum3A_36 [1] : vector<256x128xf32> to vector<256xf32>
    %broadcast_in_dim3A_38 = vector.shape_cast %reduce_sum3A_37 : vector<256xf32> to vector<256x1xf32>
    %add3A_39 = arith.addf %broadcast_in_dim3A_31, %broadcast_in_dim3A_38 : vector<256x1xf32>
    %sub3A = arith.subf %add3A_39, %add3A_24 : vector<256x1xf32>
    %max3A = arith.constant 0.000000e+00 : f32
    %max3A_40 = vector.broadcast %max3A : f32 to vector<256x1xf32>
    %max3A_41 = arith.maximumf %sub3A, %max3A_40 : vector<256x1xf32>
    %abs3A = math.absf %sub3A : vector<256x1xf32>
    %neg3A = arith.constant 0.000000e+00 : f32
    %neg3A_42 = vector.broadcast %neg3A : f32 to vector<256x1xf32>
    %neg3A_43 = arith.subf %neg3A_42, %abs3A : vector<256x1xf32>
    %exp3A = math.exp %neg3A_43 : vector<256x1xf32>
    %add3A_44 = arith.constant 1.000000e+00 : f32
    %add3A_45 = vector.broadcast %add3A_44 : f32 to vector<256x1xf32>
    %add3A_46 = arith.addf %add3A_45, %exp3A : vector<256x1xf32>
    %log3A = math.log %add3A_46 : vector<256x1xf32>
    %add3A_47 = arith.addf %max3A_41, %log3A : vector<256x1xf32>
    %reduce_sum3A_48 = vector.shape_cast %add3A_47 : vector<256x1xf32> to vector<1x256x1xf32>
    %reduce_sum3A_49 = arith.constant dense<0.000000e+00> : vector<1xf32>
    %reduce_sum3A_50 = vector.multi_reduction <add>, %reduce_sum3A_48, %reduce_sum3A_49 [1, 2] : vector<1x256x1xf32> to vector<1xf32>
    %reduce_sum3A_51 = vector.shape_cast %reduce_sum3A_50 : vector<1xf32> to vector<1x1x1xf32>
    %reduce_sum3A_52 = vector.extract %reduce_sum3A_51[0, 0, 0] : f32 from vector<1x1x1xf32>
    %mul3A_53 = arith.constant 6.10351563E-5 : f32
    %mul3A_54 = arith.mulf %reduce_sum3A_52, %mul3A_53 : f32
    %mul3A_55 = arith.mulf %get3A_12, %get3A_12 : vector<256x128xf32>
    %reduce_sum3A_56 = vector.shape_cast %mul3A_55 : vector<256x128xf32> to vector<1x256x128xf32>
    %reduce_sum3A_57 = arith.constant dense<0.000000e+00> : vector<1xf32>
    %reduce_sum3A_58 = vector.multi_reduction <add>, %reduce_sum3A_56, %reduce_sum3A_57 [1, 2] : vector<1x256x128xf32> to vector<1xf32>
    %reduce_sum3A_59 = vector.shape_cast %reduce_sum3A_58 : vector<1xf32> to vector<1x1x1xf32>
    %reduce_sum3A_60 = vector.extract %reduce_sum3A_59[0, 0, 0] : f32 from vector<1x1x1xf32>
    %get3A_61 = arith.constant 0 : index
    %get3A_62 = arith.constant 0 : index
    %get3A_63 = vector.load %arg2[%get3A_61, %get3A_62] : memref<256x128xf32, #tpu.memory_space<vmem>>, vector<256x128xf32>
    %get3A_64 = arith.constant 0 : index
    %get3A_65 = arith.constant 0 : index
    %get3A_66 = vector.load %arg2[%get3A_64, %get3A_65] : memref<256x128xf32, #tpu.memory_space<vmem>>, vector<256x128xf32>
    %mul3A_67 = arith.mulf %get3A_63, %get3A_66 : vector<256x128xf32>
    %reduce_sum3A_68 = vector.shape_cast %mul3A_67 : vector<256x128xf32> to vector<1x256x128xf32>
    %reduce_sum3A_69 = arith.constant dense<0.000000e+00> : vector<1xf32>
    %reduce_sum3A_70 = vector.multi_reduction <add>, %reduce_sum3A_68, %reduce_sum3A_69 [1, 2] : vector<1x256x128xf32> to vector<1xf32>
    %reduce_sum3A_71 = vector.shape_cast %reduce_sum3A_70 : vector<1xf32> to vector<1x1x1xf32>
    %reduce_sum3A_72 = vector.extract %reduce_sum3A_71[0, 0, 0] : f32 from vector<1x1x1xf32>
    %add3A_73 = arith.addf %reduce_sum3A_60, %reduce_sum3A_72 : f32
    %get3A_74 = arith.constant 0 : index
    %get3A_75 = arith.constant 0 : index
    %get3A_76 = vector.load %arg3[%get3A_74, %get3A_75] : memref<256x128xf32, #tpu.memory_space<vmem>>, vector<256x128xf32>
    %get3A_77 = arith.constant 0 : index
    %get3A_78 = arith.constant 0 : index
    %get3A_79 = vector.load %arg3[%get3A_77, %get3A_78] : memref<256x128xf32, #tpu.memory_space<vmem>>, vector<256x128xf32>
    %mul3A_80 = arith.mulf %get3A_76, %get3A_79 : vector<256x128xf32>
    %reduce_sum3A_81 = vector.shape_cast %mul3A_80 : vector<256x128xf32> to vector<1x256x128xf32>
    %reduce_sum3A_82 = arith.constant dense<0.000000e+00> : vector<1xf32>
    %reduce_sum3A_83 = vector.multi_reduction <add>, %reduce_sum3A_81, %reduce_sum3A_82 [1, 2] : vector<1x256x128xf32> to vector<1xf32>
    %reduce_sum3A_84 = vector.shape_cast %reduce_sum3A_83 : vector<1xf32> to vector<1x1x1xf32>
    %reduce_sum3A_85 = vector.extract %reduce_sum3A_84[0, 0, 0] : f32 from vector<1x1x1xf32>
    %add3A_86 = arith.addf %add3A_73, %reduce_sum3A_85 : f32
    %mul3A_87 = arith.mulf %get3A_7, %get3A_7 : vector<256x128xf32>
    %reduce_sum3A_88 = vector.shape_cast %mul3A_87 : vector<256x128xf32> to vector<1x256x128xf32>
    %reduce_sum3A_89 = arith.constant dense<0.000000e+00> : vector<1xf32>
    %reduce_sum3A_90 = vector.multi_reduction <add>, %reduce_sum3A_88, %reduce_sum3A_89 [1, 2] : vector<1x256x128xf32> to vector<1xf32>
    %reduce_sum3A_91 = vector.shape_cast %reduce_sum3A_90 : vector<1xf32> to vector<1x1x1xf32>
    %reduce_sum3A_92 = vector.extract %reduce_sum3A_91[0, 0, 0] : f32 from vector<1x1x1xf32>
    %add3A_93 = arith.addf %add3A_86, %reduce_sum3A_92 : f32
    %mul3A_94 = arith.constant 5.000000e-06 : f32
    %mul3A_95 = arith.mulf %mul3A_94, %add3A_93 : f32
    %eq3A = arith.constant 0 : i32
    %eq3A_96 = arith.cmpi eq, %arg0, %eq3A : i32
    %convert_element_type3A = arith.extui %eq3A_96 : i1 to i32
    %cond3A = arith.constant 0 : i32
    %cond3A_97 = arith.cmpi ne, %convert_element_type3A, %cond3A : i32
    scf.if %cond3A_97 {
      %swap3A_111 = arith.constant 0.000000e+00 : f32
      %swap3A_112 = arith.constant 0 : index
      %swap3A_113 = arith.constant 0 : index
      %swap3A_114 = memref.load %arg9[%swap3A_112, %swap3A_113] : memref<1x1xf32, #tpu.memory_space<smem>>
      memref.store %swap3A_111, %arg9[%swap3A_112, %swap3A_113] : memref<1x1xf32, #tpu.memory_space<smem>>
      %mul3A_115 = arith.mulf %get3A_4, %get3A_4 : vector<1x4096xf32>
      %reduce_sum3A_116 = vector.shape_cast %mul3A_115 : vector<1x4096xf32> to vector<1x1x4096xf32>
      %reduce_sum3A_117 = arith.constant dense<0.000000e+00> : vector<1xf32>
      %reduce_sum3A_118 = vector.multi_reduction <add>, %reduce_sum3A_116, %reduce_sum3A_117 [1, 2] : vector<1x1x4096xf32> to vector<1xf32>
      %reduce_sum3A_119 = vector.shape_cast %reduce_sum3A_118 : vector<1xf32> to vector<1x1x1xf32>
      %reduce_sum3A_120 = vector.extract %reduce_sum3A_119[0, 0, 0] : f32 from vector<1x1x1xf32>
      %mul3A_121 = arith.mulf %get3A_1, %get3A_1 : vector<128x4096xf32>
      %reduce_sum3A_122 = vector.shape_cast %mul3A_121 : vector<128x4096xf32> to vector<1x128x4096xf32>
      %reduce_sum3A_123 = arith.constant dense<0.000000e+00> : vector<1xf32>
      %reduce_sum3A_124 = vector.multi_reduction <add>, %reduce_sum3A_122, %reduce_sum3A_123 [1, 2] : vector<1x128x4096xf32> to vector<1xf32>
      %reduce_sum3A_125 = vector.shape_cast %reduce_sum3A_124 : vector<1xf32> to vector<1x1x1xf32>
      %reduce_sum3A_126 = vector.extract %reduce_sum3A_125[0, 0, 0] : f32 from vector<1x1x1xf32>
      %add3A_127 = arith.addf %reduce_sum3A_120, %reduce_sum3A_126 : f32
      %mul3A_128 = arith.constant 5.000000e-06 : f32
      %mul3A_129 = arith.mulf %mul3A_128, %add3A_127 : f32
      %swap3A_130 = arith.constant 0 : index
      %swap3A_131 = arith.constant 0 : index
      %swap3A_132 = memref.load %arg10[%swap3A_130, %swap3A_131] : memref<1x1xf32, #tpu.memory_space<smem>>
      memref.store %mul3A_129, %arg10[%swap3A_130, %swap3A_131] : memref<1x1xf32, #tpu.memory_space<smem>>
    } else {
    }
    %get3A_98 = arith.constant 0 : index
    %get3A_99 = arith.constant 0 : index
    %get3A_100 = memref.load %arg9[%get3A_98, %get3A_99] : memref<1x1xf32, #tpu.memory_space<smem>>
    %add3A_101 = arith.addf %get3A_100, %mul3A_54 : f32
    %swap3A = arith.constant 0 : index
    %swap3A_102 = arith.constant 0 : index
    %swap3A_103 = memref.load %arg9[%swap3A, %swap3A_102] : memref<1x1xf32, #tpu.memory_space<smem>>
    memref.store %add3A_101, %arg9[%swap3A, %swap3A_102] : memref<1x1xf32, #tpu.memory_space<smem>>
    %get3A_104 = arith.constant 0 : index
    %get3A_105 = arith.constant 0 : index
    %get3A_106 = memref.load %arg10[%get3A_104, %get3A_105] : memref<1x1xf32, #tpu.memory_space<smem>>
    %add3A_107 = arith.addf %get3A_106, %mul3A_95 : f32
    %swap3A_108 = arith.constant 0 : index
    %swap3A_109 = arith.constant 0 : index
    %swap3A_110 = memref.load %arg10[%swap3A_108, %swap3A_109] : memref<1x1xf32, #tpu.memory_space<smem>>
    memref.store %add3A_107, %arg10[%swap3A_108, %swap3A_109] : memref<1x1xf32, #tpu.memory_space<smem>>
    return
  }
  func.func @transform_0(%arg0: i32) -> (i32, i32) {
    %c0_i32 = arith.constant 0 : i32
    %c0_i32_0 = arith.constant 0 : i32
    return %arg0, %c0_i32 : i32, i32
  }
  func.func @transform_1(%arg0: i32) -> (i32, i32) {
    %c0_i32 = arith.constant 0 : i32
    %c0_i32_0 = arith.constant 0 : i32
    return %arg0, %c0_i32 : i32, i32
  }
  func.func @transform_2(%arg0: i32) -> (i32, i32) {
    %c0_i32 = arith.constant 0 : i32
    %c0_i32_0 = arith.constant 0 : i32
    return %arg0, %c0_i32 : i32, i32
  }
  func.func @transform_3(%arg0: i32) -> (i32, i32) {
    %c0_i32 = arith.constant 0 : i32
    %c0_i32_0 = arith.constant 0 : i32
    return %arg0, %c0_i32 : i32, i32
  }
  func.func @transform_4(%arg0: i32) -> (i32, i32) {
    %c0_i32 = arith.constant 0 : i32
    %c0_i32_0 = arith.constant 0 : i32
    return %arg0, %c0_i32 : i32, i32
  }
  func.func @transform_5(%arg0: i32) -> (i32, i32) {
    %c0_i32 = arith.constant 0 : i32
    %c0_i32_0 = arith.constant 0 : i32
    return %arg0, %c0_i32 : i32, i32
  }
  func.func @transform_6(%arg0: i32) -> (i32, i32) {
    %c0_i32 = arith.constant 0 : i32
    %c0_i32_0 = arith.constant 0 : i32
    %c0_i32_1 = arith.constant 0 : i32
    return %c0_i32, %c0_i32_0 : i32, i32
  }
  func.func @transform_7(%arg0: i32) -> (i32, i32) {
    %c0_i32 = arith.constant 0 : i32
    %c0_i32_0 = arith.constant 0 : i32
    %c0_i32_1 = arith.constant 0 : i32
    return %c0_i32, %c0_i32_0 : i32, i32
  }
  func.func @transform_8(%arg0: i32) -> (i32, i32) {
    %c0_i32 = arith.constant 0 : i32
    %c0_i32_0 = arith.constant 0 : i32
    %c0_i32_1 = arith.constant 0 : i32
    return %c0_i32, %c0_i32_0 : i32, i32
  }
  func.func @transform_9(%arg0: i32) -> (i32, i32) {
    %c0_i32 = arith.constant 0 : i32
    %c0_i32_0 = arith.constant 0 : i32
    %c0_i32_1 = arith.constant 0 : i32
    return %c0_i32, %c0_i32_0 : i32, i32
  }
}

</mosaic_0001>

<sc_bundles>
// kernel: kernel.4.cloned.1.call-start
scs
__scs_entry_jumppad:
0x0: {  	(pc) =	sbr.rel $0x88, $3  }
0x1: {  	(tag) =	ssettag $0x0;
	lr =	simm.s32 $0x1  }
0x2: {  	[smem:$0x3F98] =	sst lr;
	_ =	strace $0xD0000000  }
0x3: {  	_ = 	snop  }
0x4: {  	_ = 	snop  }
0x5: {  	_ = 	snop  }
0x6: {  	_ = 	snop  }
0x7: {  	_ = 	snop  }
__scs_overlays_trampoline_lowered:
0x8: {  	[smem:$0x3FA7] =	sst s0  }
0x9: {  	[smem:$0x3FA8] =	sst s1  }
0xa: {  	[smem:$0x3FA9] =	sst s2  }
0xb: {  	[smem:$0x3FAA] =	sst s3  }
0xc: {  	[smem:$0x3FAB] =	sst s4  }
0xd: {  	[smem:$0x3FAC] =	sst s5  }
0xe: {  	[smem:$0x3FAD] =	sst s6  }
0xf: {  	[smem:$0x3FAE] =	sst s7  }
0x10: {  	[smem:$0x3FAF] =	sst s8  }
0x11: {  	[smem:$0x3FB0] =	sst s9;
	s0 =	simm.s32 @!p0 $0x0  }
0x12: {  	s1 =	sld [smem:$0x3F96];
	s0 =	simm.s32 @p0 $0x1  }
0x13: {  	[smem:$0x3FB1] =	sst s0;
	s0 =	simm.s32 @!p1 $0x0  }
0x14: {  	s2 =	sld [smem:$0x3F95];
	s0 =	simm.s32 @p1 $0x1  }
0x15: {  	[smem:$0x3FB2] =	sst s0;
	s0 =	simm.s32 @!p2 $0x0  }
0x16: {  	s3 =	sld [smem:$0x3FDB];
	s0 =	simm.s32 @p2 $0x1  }
0x17: {  	s4 =	simm.s32 $0x1BF5;
	[smem:$0x3FB4] =	sst s0  }
0x18: {  	s0 =	sld [smem:$0x3F97];
	_ =	swait.ge [sflag:s4], $0x0  }
0x19: {  	s7 =	sld [smem:$0x3F98]  }
0x1a: {  	s8 =	sadd.s32 $0xFFFFE003, lr  }
0x1b: {  	s9 =	sadd.s32 $0xFFFFFEF7, lr;
	s5 =	simm.s32 $0xFFFFFFFF;
	p2 =	slt.u32 s8, $0xFFFFF086  }
0x1c: {  	p1 =	slt.u32 s9, $0xF7A;
	s5 =	simm.s32 @!p2 $0x0  }
0x1d: {  	s5 =	simm.s32 @p1 $0x1;
	p0 =	seq.s32 s7, s2  }
0x1e: {  	s7 =	smul.u32 @!p0 $0xF7A, s2;
	p2 =	seq.s32 @!p0 s5, $0x0  }
0x1f: {  	s9 =	smul.u32 $0xF7A, s1;
	s8 =	simm.s32 @!p0 $0x1BF5;
	p2 =	por !p2, p0  }
0x20: {  	[sflag:s8] =	ssyncset.s32 @!p0 $0xFFFFF086;
	s6 =	sadd.s32 @!p0 s3, s7;
	s7 =	simm.s32 @!p0 $0x108  }
0x21: {  	s3 =	sadd.s32 s3, s9;
	s6 =	sadd.s32 @!p0 $0x88, s6;
	s7 =	simm.s32 @p2 $0x1082  }
0x22: {  	[simem:s7], [sflag:s8] =	dma.local @!p0 [hbm:s6], $0xF7A  }
0x23: {  	s9 =	sor.u32 $0xD0000000, s2;
	s6 =	simm.s32 $0x108;
	_ =	swait.ge @!p0 [sflag:s8], $0x0  }
0x24: {  	s3 =	sadd.s32 $0x88, s3;
	s6 =	simm.s32 @!p1 $0x1082;
	[sflag:s4] =	ssyncset.s32 $0xFFFFF086  }
0x25: {  	[simem:s6], [sflag:s4] =	dma.local [hbm:s3], $0xF7A  }
0x26: {  	[smem:$0x3F98] =	sst s1;
	(tag) =	ssettag s2;
	_ =	strace s9  }
0x27: {  	s1 =	sld [smem:$0x3FA8]  }
0x28: {  	s2 =	sld [smem:$0x3FA9]  }
0x29: {  	s4 =	sld [smem:$0x3FAB]  }
0x2a: {  	p0 =	seq.s32 s5, $0x0;
	s5 =	sld [smem:$0x3FAC]  }
0x2b: {  	s6 =	sld [smem:$0x3FAD]  }
0x2c: {  	s7 =	sld [smem:$0x3FAE]  }
0x2d: {  	s3 =	simm.s32 $0x108;
	s8 =	sld [smem:$0x3FAF]  }
0x2e: {  	s3 =	simm.s32 @!p0 $0x1082;
	s9 =	sld [smem:$0x3FB0]  }
0x2f: {  	lr =	sadd.s32 s0, s3;
	s0 =	sld [smem:$0x3FA7]  }
0x30: {  	s3 =	sld [smem:$0x3FAA]  }
0x31: {  	[smem:$0x3FB3] =	sst s10  }
0x32: {  	s10 =	sld [smem:$0x3FB1];
	_ =	sdelay $0x3  }
0x33: {  	p0 =	seq.s32 s10, $0x1;
	s10 =	sld [smem:$0x3FB3];
	_ =	sdelay $0x3  }
0x34: {  	[smem:$0x3FB3] =	sst s10  }
0x35: {  	s10 =	sld [smem:$0x3FB2];
	_ =	sdelay $0x3  }
0x36: {  	p1 =	seq.s32 s10, $0x1;
	s10 =	sld [smem:$0x3FB3];
	_ =	sdelay $0x3  }
0x37: {  	[smem:$0x3FB3] =	sst s10  }
0x38: {  	s10 =	sld [smem:$0x3FB4]  }
0x39: {  	_ = 	snop;
	(pc) =	sbr.ind lr, $3  }
0x3a: {  	_ = 	snop  }
0x3b: {  	_ = 	snop  }
0x3c: {  	p2 =	seq.s32 s10, $0x1;
	s10 =	sld [smem:$0x3FB3]  }
0x3d: {  	_ =	shalt  }
0x3e: {  	_ =	shalt  }
0x3f: {  	_ =	shalt  }
0x40: {  	_ =	shalt  }
0x41: {  	_ =	shalt  }
0x42: {  	_ =	shalt  }
0x43: {  	_ =	shalt  }
0x44: {  	_ =	shalt  }
0x45: {  	_ =	shalt  }
0x46: {  	_ =	shalt  }
0x47: {  	_ =	shalt  }
0x48: {  	_ =	shalt  }
0x49: {  	_ =	shalt  }
0x4a: {  	_ =	shalt  }
0x4b: {  	_ =	shalt  }
0x4c: {  	_ =	shalt  }
0x4d: {  	_ =	shalt  }
0x4e: {  	_ =	shalt  }
0x4f: {  	_ =	shalt  }
0x50: {  	_ =	shalt  }
0x51: {  	_ =	shalt  }
0x52: {  	_ =	shalt  }
0x53: {  	_ =	shalt  }
0x54: {  	_ =	shalt  }
0x55: {  	_ =	shalt  }
0x56: {  	_ =	shalt  }
0x57: {  	_ =	shalt  }
0x58: {  	_ =	shalt  }
0x59: {  	_ =	shalt  }
0x5a: {  	_ =	shalt  }
0x5b: {  	_ =	shalt  }
0x5c: {  	_ =	shalt  }
0x5d: {  	_ =	shalt  }
0x5e: {  	_ =	shalt  }
0x5f: {  	_ =	shalt  }
0x60: {  	_ =	shalt  }
0x61: {  	_ =	shalt  }
0x62: {  	_ =	shalt  }
0x63: {  	_ =	shalt  }
0x64: {  	_ =	shalt  }
0x65: {  	_ =	shalt  }
0x66: {  	_ =	shalt  }
0x67: {  	_ =	shalt  }
0x68: {  	_ =	shalt  }
0x69: {  	_ =	shalt  }
0x6a: {  	_ =	shalt  }
0x6b: {  	_ =	shalt  }
0x6c: {  	_ =	shalt  }
0x6d: {  	_ =	shalt  }
0x6e: {  	_ =	shalt  }
0x6f: {  	_ =	shalt  }
0x70: {  	_ =	shalt  }
0x71: {  	_ =	shalt  }
0x72: {  	_ =	shalt  }
0x73: {  	_ =	shalt  }
0x74: {  	_ =	shalt  }
0x75: {  	_ =	shalt  }
0x76: {  	_ =	shalt  }
0x77: {  	_ =	shalt  }
0x78: {  	_ =	shalt  }
0x79: {  	_ =	shalt  }
0x7a: {  	_ =	shalt  }
0x7b: {  	_ =	shalt  }
0x7c: {  	_ =	shalt  }
0x7d: {  	_ =	shalt  }
0x7e: {  	_ =	shalt  }
0x7f: {  	_ =	shalt  }
0x80: {  	_ =	shalt  }
0x81: {  	_ =	shalt  }
0x82: {  	_ =	shalt  }
0x83: {  	_ =	shalt  }
0x84: {  	_ =	shalt  }
0x85: {  	_ =	shalt  }
0x86: {  	_ =	shalt  }
0x87: {  	_ =	shalt  }
.Lfunc_end0:
.L_simem_size_0:
called_computation_lowered:
.L_overlay_start_0:
0x88: {  	s2 =	sld [smem:$0x3FD9]  }
0x89: {  	s3 =	sld [smem:$0x3FFE];
	_ =	sdelay $0x1  }
0x8a: {  	s1 =	srdreg.scid  }
0x8b: {  	s0 =	sand.u32 $0x1, s1  }
0x8c: {  	s17 =	sshll.u32 s0, $0xA;
	s2 =	sadd.s32 s3, s2  }
0x8d: {  	s2 =	sadd.s32 s2, s17  }
0x8e: {  	[smem:$0x3FBF] =	sst s2  }
0x8f: {  	_ = 	snop  }
0x90: {  	s2 =	sld [smem:$0x3FC9]  }
0x91: {  	s18 =	sld [smem:$0x3FC8]  }
0x92: {  	s4 =	sld [smem:$0x3FC7]  }
0x93: {  	s5 =	sld [smem:$0x3FC6]  }
0x94: {  	s6 =	sld [smem:$0x3FC5]  }
0x95: {  	s7 =	sld [smem:$0x3FC4]  }
0x96: {  	s8 =	sld [smem:$0x3FC3];
	(tm) =	ssettm $0x1  }
0x97: {  	s9 =	sld [smem:$0x3FFB];
	_ =	sdelay $0x3  }
0x98: {  	_ =	strace s9  }
0x99: {  	s9 =	sld [smem:$0x3FFC];
	_ =	sdelay $0x3  }
0x9a: {  	_ =	strace s9  }
0x9b: {  	s9 =	sld [smem:$0x3FFD];
	_ =	sdelay $0x3  }
0x9c: {  	_ =	strace s9  }
0x9d: {  	_ =	strace $0x8FFFFFFF  }
0x9e: {  	s19 =	sld [smem:$0x3FDB];
	_ =	sdelay $0x1  }
0x9f: {  	s10 =	simm.s32 $_scs_section_size  }
0xa0: {  	s11 =	simm.s32 $_size__tile_overlayer_lowered;
	s12 =	simm.s32 $_tile_overlayer_lowered  }
0xa1: {  	s22 =	simm.s32 $0x1BFF;
	s21 =	sshll.u32 s12, $0x1;
	s9 =	sadd.s32 s10, s19  }
0xa2: {  	s13 =	simm.s32 $0x0;
	s20 =	sshll.u32 s11, $0x1;
	s11 =	sadd.s32 s21, s9  }
0xa3: {  	[timem:s13], [sflag:s22] =	dma.local [hbm:s11], s20  }
0xa4: {  	_ =	swait.ge [sflag:s22], s20  }
0xa5: {  	s10 =	ssub.s32 $0x0, s20;
	[sflag:s22] =	ssyncset.done $0x0  }
0xa6: {  	[sflag:s22] =	ssyncadd.s32 s10;
	_ =	sdelay $0x1  }
0xa7: {  	s23 =	simm.s32 $0x1B8B  }
0xa8: {  	_ =	swait.ge [sflag:s23], $0x1  }
0xa9: {  	[sflag:s23] =	ssyncset.done $0x0  }
0xaa: {  	s25 =	simm.s32 $0x1B8E;
	s24 =	sld [smem:$0x3FFE];
	[sflag:s23] =	ssyncadd.s32 $0xFFFFFFFF  }
0xab: {  	s26 =	simm.s32 $execute0_lowered;
	[smem:$0x3FD2] =	sst s25  }
0xac: {  	s11 =	sshll.u32 s26, $0x1;
	_ =	strace $0x80000046;
	[dreg:$0x1] =	wrdreg $0xFFFFFFFF  }
0xad: {  	s28 =	simm.s32 $_size_execute0_lowered;
	s9 =	sadd.s32 s9, s11;
	[dreg:$0x0] =	wrdreg $0x0  }
0xae: {  	s11 =	sshll.u32 s28, $0x1;
	[dreg:$0x2] =	wrdreg s9  }
0xaf: {  	[dreg:$0x3] =	wrdreg s11  }
0xb0: {  	[dreg:$0x4] =	wrdreg $0xC0  }
0xb1: {  	_ =	task [dreg:s13], $0x5FFFF  }
0xb2: {  	[dreg:$0x1] =	wrdreg $0xFFFFFFFF  }
0xb3: {  	[dreg:$0x0] =	wrdreg $0x60  }
0xb4: {  	[dreg:$0x2] =	wrdreg s2  }
0xb5: {  	[dreg:$0x3] =	wrdreg s18  }
0xb6: {  	[dreg:$0x4] =	wrdreg s4  }
0xb7: {  	[dreg:$0x5] =	wrdreg s5  }
0xb8: {  	[dreg:$0x6] =	wrdreg s6  }
0xb9: {  	[dreg:$0x7] =	wrdreg s7  }
0xba: {  	[dreg:$0x8] =	wrdreg s8  }
0xbb: {  	[dreg:$0x9] =	wrdreg s24  }
0xbc: {  	[dreg:$0xa] =	wrdreg $0x9  }
0xbd: {  	_ =	task.clear_ibuf [dreg:s13], $0xBFFFF;
	_ =	strace $0x90000046  }
0xbe: {  	s29 =	simm.s32 $0x9;
	_ =	strace $0x80000048  }
0xbf: {  	_ =	swait.ge [sflag:s29], $0x1  }
0xc0: {  	[sflag:s29] =	ssyncadd.s32 $0xFFFFFFFF  }
0xc1: {  	_ =	strace $0x90000048  }
0xc2: {  	_ =	sfence  }
0xc3: {  	s30 =	sld [smem:$0x0];
	_ =	sdelay $0x2  }
0xc4: {  	s31 =	sshll.u32 s1, $0xD;
	s1 =	sshrl.u32 s1, $0x2  }
0xc5: {  	s3 =	sand.u32 $0x4000, s31;
	s1 =	sadd.s32 s1, s30  }
0xc6: {  	s0 =	sor.u32 s3, s0;
	s1 =	sshll.u32 s1, $0x11  }
0xc7: {  	s0 =	sor.u32 s1, s0  }
0xc8: {  	s0 =	sadd.s32 $0x8F2B, s0  }
0xc9: {  	[sflag:s0] =	ssyncadd.remote.s32 $0x1  }
0xca: {  	_ =	sfence.sel $0xFFFF  }
0xcb: {  	[dreg:$0x0] =	wrdreg $0xFFFFFFFF;
	(pc) =	sbr.abs _section_cstart, $3  }
0xcc: {  	[dreg:$0x1] =	wrdreg $0xFFFFFFFF  }
0xcd: {  	_ =	task.clear_ibuf [dreg:s13], $0x2FFFF;
	_ =	strace $0x9FFFFFFF  }
0xce: {  	(tm) =	ssettm $0x7FFFFFFF  }
0xcf: {  	_ =	shalt  }
tec
execute0_lowered:
.L_overlay_start_1:
0x0: {  	(tag) =	ssettag $0x1  }
0x1: {  	s0 =	rddreg [dreg:$0x0]  }
0x2: {  	s4 =	rddreg [dreg:$0x1]  }
0x3: {  	s5 =	rddreg [dreg:$0x2]  }
0x4: {  	s1 =	rddreg [dreg:$0x3]  }
0x5: {  	s2 =	rddreg [dreg:$0x4]  }
0x6: {  	s3 =	rddreg [dreg:$0x5]  }
0x7: {  	s20 =	rddreg [dreg:$0x6]  }
0x8: {  	s7 =	rddreg [dreg:$0x7]  }
0x9: {  	s6 =	simm.s32 $0x0;
	s8 =	srdreg.scid;
	s13 =	stileid.u32  }
0xa: {  	[smem:$0x7FF] =	sst s6;
	s8 =	sand.u32 $0x1, s8;
	s9 =	sshll.u32 s13, $0xE  }
0xb: {  	s11 =	sshll.u32 s13, $0x13;
	s18 =	sshll.u32 s13, $0xA;
	s28 =	sadd.s32 $0x300, s20  }
0xc: {  	s29 =	sadd.s32 $0x400, s20;
	_ =	strace $0x80000047;
	[dreg:$0xb] =	wrdreg s28  }
0xd: {  	s13 =	sadd.s32 $0x200, s20;
	s30 =	sadd.s32 $0x500, s20;
	[dreg:$0xc] =	wrdreg s29  }
0xe: {  	s31 =	sadd.s32 $0x600, s20;
	s14 =	sadd.s32 $0x800, s20;
	[dreg:$0xd] =	wrdreg s30  }
0xf: {  	s15 =	sadd.s32 $0x900, s20;
	s25 =	sadd.s32 $0xA00, s20;
	[dreg:$0xe] =	wrdreg s31  }
0x10: {  	s26 =	sadd.s32 $0xB00, s20;
	s10 =	ssub.s32 $0x2, s8;
	[dreg:$0x10] =	wrdreg s14  }
0x11: {  	s9 =	sadd.s32 s9, s7;
	s7 =	sadd.s32 s11, s7;
	[dreg:$0x11] =	wrdreg s15  }
0x12: {  	s19 =	sshll.u32 s8, $0x9;
	s17 =	sshll.u32 s8, $0xD;
	[dreg:$0x17] =	wrdreg s25  }
0x13: {  	s8 =	sshll.u32 s8, $0x12;
	[dreg:$0x19] =	wrdreg s26;
	s28 =	sadd.s32 $0xC00, s20  }
0x14: {  	s29 =	sadd.s32 $0xD00, s20;
	s30 =	sadd.s32 $0xE00, s20;
	[dreg:$0xa] =	wrdreg s13  }
0x15: {  	s31 =	sadd.s32 $0xF00, s20;
	s25 =	simm.s32 $0x1;
	[dreg:$0x1a] =	wrdreg s28  }
0x16: {  	s12 =	sshrl.u32 s10, $0x1;
	s9 =	sadd.s32 s17, s9;
	[dreg:$0x1b] =	wrdreg s29  }
0x17: {  	s21 =	sor.u32 s19, s18;
	s7 =	sadd.s32 s8, s7;
	[dreg:$0x1c] =	wrdreg s30  }
0x18: {  	[dreg:$0x1d] =	wrdreg s31;
	s16 =	ssub.s32 s10, s12;
	s10 =	sadd.s32 $0x700, s20  }
0x19: {  	s12 =	sadd.s32 $0x100, s20;
	s22 =	sadd.s32 $0x101200, s7;
	[dreg:$0xf] =	wrdreg s10  }
0x1a: {  	s18 =	sadd.s32 $0xC1200, s9;
	s23 =	sadd.s32 $0x901200, s7;
	[dreg:$0x16] =	wrdreg s22  }
0x1b: {  	s19 =	sadd.s32 $0x41200, s9;
	s24 =	sadd.s32 $0x81200, s9;
	[dreg:$0x18] =	wrdreg s23  }
0x1c: {  	s17 =	smax.u32 s16, $0x1;
	s16 =	sshrl.u32 s21, $0x3;
	[dreg:$0x9] =	wrdreg s12  }
0x1d: {  	s23 =	simm.s32 $0x100;
	[dreg:$0x12] =	wrdreg s17;
	s0 =	sadd.s32 s16, s0  }
0x1e: {  	v2 =	vlaneseq.u32;
	s17 =	sadd.s32 $0x1200, s9;
	s11 =	sadd.s32 s16, s5;
	[dreg:$0x15] =	wrdreg s0  }
0x1f: {  	vm0 =	vmmov $0xffff;
	v1 =	vshrl.u32 v2, $0x3;
	s10 =	sadd.s32 s16, s4;
	s5 =	simm.s32 $0x2;
	[dreg:$0x13] =	wrdreg s11  }
0x20: {  	v0 =	vand.u32 $0x7, v2;
	v2 =	vor.u32 $0x8, v2;
	v1 =	vmul.u32 $0x8, v1;
	s16 =	simm.s32 $0x80;
	s0 =	simm.s32 $0x0;
	[dreg:$0x14] =	wrdreg s10  }
.LBB2_1:
0x21: {  	[dreg:$0x1e] =	wrdreg s0  }
0x22: {  	s9 =	rddreg [dreg:$0x15]  }
0x23: {  	[tilespmem:s6], [sflag:$0x2] =	stream.linear.gather [hbm4b:s9+s6], $0x80, $0x38;
	[tilespmem:$0x14100] =	vst v63  }
0x24: {  	_ =	swait.ge [sflag:s5], $0x80  }
0x25: {  	[sflag:s5] =	ssyncset.done $0x0  }
0x26: {  	[sflag:s5] =	ssyncadd.s32 $0xFFFFFF80  }
0x27: {  	[tilespmem:s23], [sflag:$0x1] =	stream.indirect.gather [hbm4b:s1+s16], $0x80, s6, s16, $0xb8;
	[tilespmem:$0x14100] =	vst v63  }
0x28: {  	_ =	swait.ge [sflag:s25], $0x4000  }
0x29: {  	[sflag:s25] =	ssyncset.done $0x0  }
0x2a: {  	s4 =	sadd.s32 $0x0, s17;
	[sflag:s25] =	ssyncadd.s32 $0xFFFFC000  }
0x2b: {  	[hbm4b:s4+s6] =	stream.linear.scatter [tilespmem:s23], [sflag:$0x2], $0x4000, $0x38;
	[tilespmem:$0x14100] =	vst v63  }
0x2c: {  	_ =	swait.ge [sflag:s5], $0x4000  }
0x2d: {  	[sflag:s5] =	ssyncset.done $0x0  }
0x2e: {  	[sflag:s5] =	ssyncadd.s32 $0xFFFFC000  }
0x2f: {  	[tilespmem:s23], [sflag:$0x1] =	stream.indirect.gather [hbm4b:s3+s16], $0x80, s6, s16, $0xb8;
	[tilespmem:$0x14100] =	vst v63  }
0x30: {  	_ =	swait.ge [sflag:s25], $0x4000  }
0x31: {  	[sflag:s25] =	ssyncset.done $0x0  }
0x32: {  	s29 =	sadd.s32 $0x0, s18;
	[sflag:s25] =	ssyncadd.s32 $0xFFFFC000  }
0x33: {  	[hbm4b:s29+s6] =	stream.linear.scatter [tilespmem:s23], [sflag:$0x2], $0x4000, $0x38;
	[tilespmem:$0x14100] =	vst v63  }
0x34: {  	_ =	swait.ge [sflag:s5], $0x4000  }
0x35: {  	[sflag:s5] =	ssyncset.done $0x0  }
0x36: {  	[sflag:s5] =	ssyncadd.s32 $0xFFFFC000  }
0x37: {  	[tilespmem:s6], [sflag:$0x2] =	stream.linear.gather [hbm4b:s10+s6], $0x80, $0x38;
	[tilespmem:$0x14100] =	vst v63  }
0x38: {  	_ =	swait.ge [sflag:s5], $0x80  }
0x39: {  	[sflag:s5] =	ssyncset.done $0x0  }
0x3a: {  	[sflag:s5] =	ssyncadd.s32 $0xFFFFFF80  }
0x3b: {  	[tilespmem:s23], [sflag:$0x1] =	stream.indirect.gather [hbm4b:s2+s16], $0x80, s6, s16, $0xb8;
	[tilespmem:$0x14100] =	vst v63  }
0x3c: {  	_ =	swait.ge [sflag:s25], $0x4000  }
0x3d: {  	[sflag:s25] =	ssyncset.done $0x0  }
0x3e: {  	s30 =	sadd.s32 $0x0, s19;
	[sflag:s25] =	ssyncadd.s32 $0xFFFFC000  }
0x3f: {  	[hbm4b:s30+s6] =	stream.linear.scatter [tilespmem:s23], [sflag:$0x2], $0x4000, $0x38;
	[tilespmem:$0x14100] =	vst v63  }
0x40: {  	_ =	swait.ge [sflag:s5], $0x4000  }
0x41: {  	[sflag:s5] =	ssyncset.done $0x0  }
0x42: {  	[sflag:s5] =	ssyncadd.s32 $0xFFFFC000  }
0x43: {  	[tilespmem:s6], [sflag:$0x2] =	stream.linear.gather [hbm4b:s11+s6], $0x80, $0x38;
	[tilespmem:$0x14100] =	vst v63  }
0x44: {  	_ =	swait.ge [sflag:s5], $0x80  }
0x45: {  	[sflag:s5] =	ssyncset.done $0x0  }
0x46: {  	[sflag:s5] =	ssyncadd.s32 $0xFFFFFF80  }
0x47: {  	[tilespmem:s23], [sflag:$0x1] =	stream.indirect.gather [hbm4b:s2+s16], $0x80, s6, s16, $0xb8;
	[tilespmem:$0x14100] =	vst v63  }
0x48: {  	_ =	swait.ge [sflag:s25], $0x4000  }
0x49: {  	[sflag:s25] =	ssyncset.done $0x0  }
0x4a: {  	s31 =	sadd.s32 $0x0, s24;
	s20 =	simm.s32 $0x800;
	[sflag:s25] =	ssyncadd.s32 $0xFFFFC000  }
0x4b: {  	[hbm4b:s31+s6] =	stream.linear.scatter [tilespmem:s23], [sflag:$0x2], $0x4000, $0x38;
	[tilespmem:$0x14100] =	vst v63  }
0x4c: {  	s7 =	simm.s32 $0x1000;
	s22 =	sadd.s32 $0x10, s10;
	_ =	swait.ge [sflag:s5], $0x4000  }
0x4d: {  	s8 =	sadd.s32 $0x10, s9;
	s4 =	smov.u32 s11;
	[sflag:s5] =	ssyncset.done $0x0  }
.LBB2_2:
0x4e: {  	s21 =	simm.s32 $0x0  }
0x4f: {  	[sflag:s5] =	ssyncadd.s32 $0xFFFFC000;
	s4 =	sadd.s32 $0x10, s4;
	s9 =	smov.u32 s7  }
0x50: {  	[tilespmem:s21], [sflag:$0x2] =	stream.linear.gather [hbm4b:s8+s21], $0x80, $0x38;
	[tilespmem:$0x14100] =	vst v63  }
0x51: {  	p0 =	sne.s32 s7, $0x1800;
	s7 =	sadd.s32 $0x800, s7;
	_ =	swait.ge [sflag:s5], $0x80  }
0x52: {  	[sflag:s5] =	ssyncset.done $0x0  }
0x53: {  	[sflag:s5] =	ssyncadd.s32 $0xFFFFFF80  }
0x54: {  	[tilespmem:s23], [sflag:$0x1] =	stream.indirect.gather [hbm4b:s1+s16], $0x80, s21, s16, $0xb8;
	[tilespmem:$0x14100] =	vst v63  }
0x55: {  	_ =	swait.ge [sflag:s25], $0x4000  }
0x56: {  	[sflag:s25] =	ssyncset.done $0x0  }
0x57: {  	s10 =	sadd.s32 s20, s17;
	[sflag:s25] =	ssyncadd.s32 $0xFFFFC000  }
0x58: {  	[hbm4b:s10+s21] =	stream.linear.scatter [tilespmem:s23], [sflag:$0x2], $0x4000, $0x38;
	[tilespmem:$0x14100] =	vst v63  }
0x59: {  	_ =	swait.ge [sflag:s5], $0x4000  }
0x5a: {  	[sflag:s5] =	ssyncset.done $0x0  }
0x5b: {  	[sflag:s5] =	ssyncadd.s32 $0xFFFFC000  }
0x5c: {  	[tilespmem:s23], [sflag:$0x1] =	stream.indirect.gather [hbm4b:s3+s16], $0x80, s21, s16, $0xb8;
	[tilespmem:$0x14100] =	vst v63  }
0x5d: {  	_ =	swait.ge [sflag:s25], $0x4000  }
0x5e: {  	[sflag:s25] =	ssyncset.done $0x0  }
0x5f: {  	s10 =	sadd.s32 s20, s18;
	[sflag:s25] =	ssyncadd.s32 $0xFFFFC000  }
0x60: {  	[hbm4b:s10+s21] =	stream.linear.scatter [tilespmem:s23], [sflag:$0x2], $0x4000, $0x38;
	[tilespmem:$0x14100] =	vst v63  }
0x61: {  	_ =	swait.ge [sflag:s5], $0x4000  }
0x62: {  	[sflag:s5] =	ssyncset.done $0x0  }
0x63: {  	[sflag:s5] =	ssyncadd.s32 $0xFFFFC000  }
0x64: {  	[tilespmem:s21], [sflag:$0x2] =	stream.linear.gather [hbm4b:s22+s21], $0x80, $0x38;
	[tilespmem:$0x14100] =	vst v63  }
0x65: {  	_ =	swait.ge [sflag:s5], $0x80  }
0x66: {  	[sflag:s5] =	ssyncset.done $0x0  }
0x67: {  	[sflag:s5] =	ssyncadd.s32 $0xFFFFFF80  }
0x68: {  	[tilespmem:s23], [sflag:$0x1] =	stream.indirect.gather [hbm4b:s2+s16], $0x80, s21, s16, $0xb8;
	[tilespmem:$0x14100] =	vst v63  }
0x69: {  	_ =	swait.ge [sflag:s25], $0x4000  }
0x6a: {  	[sflag:s25] =	ssyncset.done $0x0  }
0x6b: {  	s10 =	sadd.s32 s20, s19;
	[sflag:s25] =	ssyncadd.s32 $0xFFFFC000  }
0x6c: {  	[hbm4b:s10+s21] =	stream.linear.scatter [tilespmem:s23], [sflag:$0x2], $0x4000, $0x38;
	[tilespmem:$0x14100] =	vst v63  }
0x6d: {  	_ =	swait.ge [sflag:s5], $0x4000  }
0x6e: {  	[sflag:s5] =	ssyncset.done $0x0  }
0x6f: {  	[sflag:s5] =	ssyncadd.s32 $0xFFFFC000  }
0x70: {  	[tilespmem:s21], [sflag:$0x2] =	stream.linear.gather [hbm4b:s4+s21], $0x80, $0x38;
	[tilespmem:$0x14100] =	vst v63  }
0x71: {  	_ =	swait.ge [sflag:s5], $0x80  }
0x72: {  	[sflag:s5] =	ssyncset.done $0x0  }
0x73: {  	[sflag:s5] =	ssyncadd.s32 $0xFFFFFF80  }
0x74: {  	[tilespmem:s23], [sflag:$0x1] =	stream.indirect.gather [hbm4b:s2+s16], $0x80, s21, s16, $0xb8;
	[tilespmem:$0x14100] =	vst v63  }
0x75: {  	_ =	swait.ge [sflag:s25], $0x4000  }
.Ltmp0:
0x76: {  	[sflag:s25] =	ssyncset.done $0x0;
	(pc) =	sbr.rel @p0 .LBB2_2-.Ltmp0, $4  }
0x77: {  	s10 =	sadd.s32 s20, s24;
	s20 =	smov.u32 s9;
	[sflag:s25] =	ssyncadd.s32 $0xFFFFC000  }
0x78: {  	[hbm4b:s10+s21] =	stream.linear.scatter [tilespmem:s23], [sflag:$0x2], $0x4000, $0x38;
	[tilespmem:$0x14100] =	vst v63  }
0x79: {  	_ =	swait.ge [sflag:s5], $0x4000  }
0x7a: {  	s8 =	sadd.s32 $0x10, s8;
	s22 =	sadd.s32 $0x10, s22;
	[sflag:s5] =	ssyncset.done $0x0  }
0x7b: {  	[sflag:s5] =	ssyncadd.s32 $0xFFFFC000  }
0x7c: {  	[tilespmem:s21], [sflag:$0x2] =	stream.linear.gather [hbm4b:s8+s21], $0x80, $0x38;
	[tilespmem:$0x14100] =	vst v63  }
0x7d: {  	_ =	swait.ge [sflag:s5], $0x80  }
0x7e: {  	[sflag:s5] =	ssyncset.done $0x0  }
0x7f: {  	[sflag:s5] =	ssyncadd.s32 $0xFFFFFF80  }
0x80: {  	[tilespmem:s23], [sflag:$0x1] =	stream.indirect.gather [hbm4b:s1+s16], $0x80, s21, s16, $0xb8;
	[tilespmem:$0x14100] =	vst v63  }
0x81: {  	_ =	swait.ge [sflag:s25], $0x4000  }
0x82: {  	[sflag:s25] =	ssyncset.done $0x0  }
0x83: {  	s7 =	sadd.s32 s20, s17;
	[sflag:s25] =	ssyncadd.s32 $0xFFFFC000  }
0x84: {  	[hbm4b:s7+s21] =	stream.linear.scatter [tilespmem:s23], [sflag:$0x2], $0x4000, $0x38;
	[tilespmem:$0x14100] =	vst v63  }
0x85: {  	_ =	swait.ge [sflag:s5], $0x4000  }
0x86: {  	[sflag:s5] =	ssyncset.done $0x0  }
0x87: {  	[sflag:s5] =	ssyncadd.s32 $0xFFFFC000  }
0x88: {  	[tilespmem:s23], [sflag:$0x1] =	stream.indirect.gather [hbm4b:s3+s16], $0x80, s21, s16, $0xb8;
	[tilespmem:$0x14100] =	vst v63  }
0x89: {  	_ =	swait.ge [sflag:s25], $0x4000  }
0x8a: {  	[sflag:s25] =	ssyncset.done $0x0  }
0x8b: {  	s29 =	sadd.s32 s20, s18;
	[sflag:s25] =	ssyncadd.s32 $0xFFFFC000  }
0x8c: {  	[hbm4b:s29+s21] =	stream.linear.scatter [tilespmem:s23], [sflag:$0x2], $0x4000, $0x38;
	[tilespmem:$0x14100] =	vst v63  }
0x8d: {  	_ =	swait.ge [sflag:s5], $0x4000  }
0x8e: {  	[sflag:s5] =	ssyncset.done $0x0  }
0x8f: {  	[sflag:s5] =	ssyncadd.s32 $0xFFFFC000  }
0x90: {  	[tilespmem:s21], [sflag:$0x2] =	stream.linear.gather [hbm4b:s22+s21], $0x80, $0x38;
	[tilespmem:$0x14100] =	vst v63  }
0x91: {  	_ =	swait.ge [sflag:s5], $0x80  }
0x92: {  	[sflag:s5] =	ssyncset.done $0x0  }
0x93: {  	[sflag:s5] =	ssyncadd.s32 $0xFFFFFF80  }
0x94: {  	[tilespmem:s23], [sflag:$0x1] =	stream.indirect.gather [hbm4b:s2+s16], $0x80, s21, s16, $0xb8;
	[tilespmem:$0x14100] =	vst v63  }
0x95: {  	_ =	swait.ge [sflag:s25], $0x4000  }
0x96: {  	[sflag:s25] =	ssyncset.done $0x0  }
0x97: {  	s30 =	sadd.s32 s20, s19;
	[sflag:s25] =	ssyncadd.s32 $0xFFFFC000  }
0x98: {  	[hbm4b:s30+s21] =	stream.linear.scatter [tilespmem:s23], [sflag:$0x2], $0x4000, $0x38;
	[tilespmem:$0x14100] =	vst v63  }
0x99: {  	_ =	swait.ge [sflag:s5], $0x4000  }
0x9a: {  	[sflag:s5] =	ssyncset.done $0x0  }
0x9b: {  	s4 =	sadd.s32 $0x10, s4;
	[sflag:s5] =	ssyncadd.s32 $0xFFFFC000  }
0x9c: {  	[tilespmem:s21], [sflag:$0x2] =	stream.linear.gather [hbm4b:s4+s21], $0x80, $0x38;
	[tilespmem:$0x14100] =	vst v63  }
0x9d: {  	_ =	swait.ge [sflag:s5], $0x80  }
0x9e: {  	[sflag:s5] =	ssyncset.done $0x0  }
0x9f: {  	[sflag:s5] =	ssyncadd.s32 $0xFFFFFF80  }
0xa0: {  	[tilespmem:s23], [sflag:$0x1] =	stream.indirect.gather [hbm4b:s2+s16], $0x80, s21, s16, $0xb8;
	[tilespmem:$0x14100] =	vst v63  }
0xa1: {  	_ =	swait.ge [sflag:s25], $0x4000  }
0xa2: {  	[sflag:s25] =	ssyncset.done $0x0  }
0xa3: {  	s31 =	sadd.s32 s20, s24;
	[sflag:s25] =	ssyncadd.s32 $0xFFFFC000  }
0xa4: {  	[hbm4b:s31+s21] =	stream.linear.scatter [tilespmem:s23], [sflag:$0x2], $0x4000, $0x38;
	[tilespmem:$0x14100] =	vst v63  }
0xa5: {  	_ =	swait.ge [sflag:s5], $0x4000  }
0xa6: {  	[sflag:s5] =	ssyncset.done $0x0;
	s4 =	rddreg [dreg:$0x18]  }
0xa7: {  	s20 =	rddreg [dreg:$0x16];
	[sflag:s5] =	ssyncadd.s32 $0xFFFFC000  }
.LBB2_4:
0xa8: {  	s7 =	rddreg [dreg:$0x14]  }
0xa9: {  	s7 =	sadd.s32 s21, s7  }
0xaa: {  	[tilespmem:s16], [sflag:$0x2] =	stream.linear.gather [hbm4b:s7+s6], $0x10, $0x38;
	[tilespmem:$0x14100] =	vst v63  }
0xab: {  	_ =	swait.ge [sflag:s5], $0x10  }
0xac: {  	[sflag:s5] =	ssyncset.done $0x0  }
0xad: {  	[sflag:s5] =	ssyncadd.s32 $0xFFFFFFF0  }
0xae: {  	v3 =	vld [tilespmem:$0x80];
	_ =	sdelay $0x4  }
0xaf: {  	v4 =	vshll.u32 v3, $0x5  }
0xb0: {  	v3 =	vand.u32 $0x7, v3;
	v4 =	vand.u32 $0xFFFFFF00, v4  }
0xb1: {  	v3 =	vor.u32 v3, v4  }
0xb2: {  	v4 =	vperm.xlane v3, v0;
	_ =	sdelay $0x1  }
0xb3: {  	v4 =	vadd.s32 v1, v4;
	_ =	sdelay $0x3  }
0xb4: {  	s0 =	simm.s32 $0x4100;
	s22 =	rddreg [dreg:$0x6]  }
0xb5: {  	[tilespmem:s0], [sflag:$0x1] =	stream.indirect_vreg.gather [hbm4b:s22+s6], $0x80, v4, vm0, $0xb8;
	[tilespmem:$0x14100] =	vst v63  }
0xb6: {  	s10 =	simm.s32 $0x4900;
	s9 =	rddreg [dreg:$0x9]  }
0xb7: {  	[tilespmem:s10], [sflag:$0x1] =	stream.indirect_vreg.gather [hbm4b:s9+s6], $0x80, v4, vm0, $0xb8;
	[tilespmem:$0x14100] =	vst v63  }
0xb8: {  	s11 =	simm.s32 $0x5100;
	s8 =	rddreg [dreg:$0xa]  }
0xb9: {  	[tilespmem:s11], [sflag:$0x1] =	stream.indirect_vreg.gather [hbm4b:s8+s6], $0x80, v4, vm0, $0xb8;
	[tilespmem:$0x14100] =	vst v63  }
0xba: {  	s12 =	simm.s32 $0x5900;
	s11 =	rddreg [dreg:$0xb]  }
0xbb: {  	[tilespmem:s12], [sflag:$0x1] =	stream.indirect_vreg.gather [hbm4b:s11+s6], $0x80, v4, vm0, $0xb8;
	[tilespmem:$0x14100] =	vst v63  }
0xbc: {  	s13 =	simm.s32 $0x6100;
	s12 =	rddreg [dreg:$0xc]  }
0xbd: {  	[tilespmem:s13], [sflag:$0x1] =	stream.indirect_vreg.gather [hbm4b:s12+s6], $0x80, v4, vm0, $0xb8;
	[tilespmem:$0x14100] =	vst v63  }
0xbe: {  	s14 =	simm.s32 $0x6900;
	s13 =	rddreg [dreg:$0xd]  }
0xbf: {  	[tilespmem:s14], [sflag:$0x1] =	stream.indirect_vreg.gather [hbm4b:s13+s6], $0x80, v4, vm0, $0xb8;
	[tilespmem:$0x14100] =	vst v63  }
0xc0: {  	s15 =	simm.s32 $0x7100;
	s14 =	rddreg [dreg:$0xe]  }
0xc1: {  	[tilespmem:s15], [sflag:$0x1] =	stream.indirect_vreg.gather [hbm4b:s14+s6], $0x80, v4, vm0, $0xb8;
	[tilespmem:$0x14100] =	vst v63  }
0xc2: {  	s26 =	simm.s32 $0x7900;
	s15 =	rddreg [dreg:$0xf]  }
0xc3: {  	[tilespmem:s26], [sflag:$0x1] =	stream.indirect_vreg.gather [hbm4b:s15+s6], $0x80, v4, vm0, $0xb8;
	[tilespmem:$0x14100] =	vst v63  }
0xc4: {  	s28 =	simm.s32 $0x8100;
	s26 =	rddreg [dreg:$0x10]  }
0xc5: {  	[tilespmem:s28], [sflag:$0x1] =	stream.indirect_vreg.gather [hbm4b:s26+s6], $0x80, v4, vm0, $0xb8;
	[tilespmem:$0x14100] =	vst v63  }
0xc6: {  	s29 =	simm.s32 $0x8900;
	s28 =	rddreg [dreg:$0x11]  }
0xc7: {  	[tilespmem:s29], [sflag:$0x1] =	stream.indirect_vreg.gather [hbm4b:s28+s6], $0x80, v4, vm0, $0xb8;
	[tilespmem:$0x14100] =	vst v63  }
0xc8: {  	s30 =	simm.s32 $0x9100;
	s29 =	rddreg [dreg:$0x17]  }
0xc9: {  	[tilespmem:s30], [sflag:$0x1] =	stream.indirect_vreg.gather [hbm4b:s29+s6], $0x80, v4, vm0, $0xb8;
	[tilespmem:$0x14100] =	vst v63  }
0xca: {  	s31 =	simm.s32 $0x9900;
	s30 =	rddreg [dreg:$0x19]  }
0xcb: {  	[tilespmem:s31], [sflag:$0x1] =	stream.indirect_vreg.gather [hbm4b:s30+s6], $0x80, v4, vm0, $0xb8;
	[tilespmem:$0x14100] =	vst v63  }
0xcc: {  	s1 =	simm.s32 $0xA100;
	s31 =	rddreg [dreg:$0x1a]  }
0xcd: {  	[tilespmem:s1], [sflag:$0x1] =	stream.indirect_vreg.gather [hbm4b:s31+s6], $0x80, v4, vm0, $0xb8;
	[tilespmem:$0x14100] =	vst v63  }
0xce: {  	v3 =	vperm.xlane v3, v2;
	s0 =	rddreg [dreg:$0x1b];
	s1 =	simm.s32 $0xA900  }
0xcf: {  	[tilespmem:s1], [sflag:$0x1] =	stream.indirect_vreg.gather [hbm4b:s0+s6], $0x80, v4, vm0, $0xb8;
	[tilespmem:$0x14100] =	vst v63  }
0xd0: {  	s3 =	simm.s32 $0xB100;
	v3 =	vadd.s32 v1, v3;
	s10 =	rddreg [dreg:$0x1c]  }
0xd1: {  	[tilespmem:s3], [sflag:$0x1] =	stream.indirect_vreg.gather [hbm4b:s10+s6], $0x80, v4, vm0, $0xb8;
	[tilespmem:$0x14100] =	vst v63  }
0xd2: {  	s1 =	rddreg [dreg:$0x1d];
	s3 =	simm.s32 $0xB900  }
0xd3: {  	[tilespmem:s3], [sflag:$0x1] =	stream.indirect_vreg.gather [hbm4b:s1+s6], $0x80, v4, vm0, $0xb8;
	[tilespmem:$0x14100] =	vst v63  }
0xd4: {  	s7 =	simm.s32 $0xC100  }
0xd5: {  	[tilespmem:s7], [sflag:$0x1] =	stream.indirect_vreg.gather [hbm4b:s22+s6], $0x80, v3, vm0, $0xb8;
	[tilespmem:$0x14100] =	vst v63  }
0xd6: {  	s7 =	simm.s32 $0xC900  }
0xd7: {  	[tilespmem:s7], [sflag:$0x1] =	stream.indirect_vreg.gather [hbm4b:s9+s6], $0x80, v3, vm0, $0xb8;
	[tilespmem:$0x14100] =	vst v63  }
0xd8: {  	s7 =	simm.s32 $0xD100  }
0xd9: {  	[tilespmem:s7], [sflag:$0x1] =	stream.indirect_vreg.gather [hbm4b:s8+s6], $0x80, v3, vm0, $0xb8;
	[tilespmem:$0x14100] =	vst v63  }
0xda: {  	s7 =	simm.s32 $0xD900  }
0xdb: {  	[tilespmem:s7], [sflag:$0x1] =	stream.indirect_vreg.gather [hbm4b:s11+s6], $0x80, v3, vm0, $0xb8;
	[tilespmem:$0x14100] =	vst v63  }
0xdc: {  	s7 =	simm.s32 $0xE100  }
0xdd: {  	[tilespmem:s7], [sflag:$0x1] =	stream.indirect_vreg.gather [hbm4b:s12+s6], $0x80, v3, vm0, $0xb8;
	[tilespmem:$0x14100] =	vst v63  }
0xde: {  	s7 =	simm.s32 $0xE900  }
0xdf: {  	[tilespmem:s7], [sflag:$0x1] =	stream.indirect_vreg.gather [hbm4b:s13+s6], $0x80, v3, vm0, $0xb8;
	[tilespmem:$0x14100] =	vst v63  }
0xe0: {  	s7 =	simm.s32 $0xF100  }
0xe1: {  	[tilespmem:s7], [sflag:$0x1] =	stream.indirect_vreg.gather [hbm4b:s14+s6], $0x80, v3, vm0, $0xb8;
	[tilespmem:$0x14100] =	vst v63  }
0xe2: {  	s7 =	simm.s32 $0xF900  }
0xe3: {  	[tilespmem:s7], [sflag:$0x1] =	stream.indirect_vreg.gather [hbm4b:s15+s6], $0x80, v3, vm0, $0xb8;
	[tilespmem:$0x14100] =	vst v63  }
0xe4: {  	s7 =	simm.s32 $0x10100  }
0xe5: {  	[tilespmem:s7], [sflag:$0x1] =	stream.indirect_vreg.gather [hbm4b:s26+s6], $0x80, v3, vm0, $0xb8;
	[tilespmem:$0x14100] =	vst v63  }
0xe6: {  	s7 =	simm.s32 $0x10900  }
0xe7: {  	[tilespmem:s7], [sflag:$0x1] =	stream.indirect_vreg.gather [hbm4b:s28+s6], $0x80, v3, vm0, $0xb8;
	[tilespmem:$0x14100] =	vst v63  }
0xe8: {  	s7 =	simm.s32 $0x11100  }
0xe9: {  	[tilespmem:s7], [sflag:$0x1] =	stream.indirect_vreg.gather [hbm4b:s29+s6], $0x80, v3, vm0, $0xb8;
	[tilespmem:$0x14100] =	vst v63  }
0xea: {  	s7 =	simm.s32 $0x11900  }
0xeb: {  	[tilespmem:s7], [sflag:$0x1] =	stream.indirect_vreg.gather [hbm4b:s30+s6], $0x80, v3, vm0, $0xb8;
	[tilespmem:$0x14100] =	vst v63  }
0xec: {  	s7 =	simm.s32 $0x12100  }
0xed: {  	[tilespmem:s7], [sflag:$0x1] =	stream.indirect_vreg.gather [hbm4b:s31+s6], $0x80, v3, vm0, $0xb8;
	[tilespmem:$0x14100] =	vst v63  }
0xee: {  	s7 =	simm.s32 $0x12900  }
0xef: {  	[tilespmem:s7], [sflag:$0x1] =	stream.indirect_vreg.gather [hbm4b:s0+s6], $0x80, v3, vm0, $0xb8;
	[tilespmem:$0x14100] =	vst v63  }
0xf0: {  	s7 =	simm.s32 $0x13100  }
0xf1: {  	[tilespmem:s7], [sflag:$0x1] =	stream.indirect_vreg.gather [hbm4b:s10+s6], $0x80, v3, vm0, $0xb8;
	[tilespmem:$0x14100] =	vst v63  }
0xf2: {  	s7 =	simm.s32 $0x13900  }
0xf3: {  	[tilespmem:s7], [sflag:$0x1] =	stream.indirect_vreg.gather [hbm4b:s1+s6], $0x80, v3, vm0, $0xb8;
	[tilespmem:$0x14100] =	vst v63  }
0xf4: {  	_ =	swait.ge [sflag:s25], $0x10000  }
0xf5: {  	[sflag:s25] =	ssyncset.done $0x0  }
0xf6: {  	s3 =	simm.s32 $0x4100;
	[sflag:s25] =	ssyncadd.s32 $0xFFFF0000  }
0xf7: {  	[hbm4b:s20+s6] =	stream.linear.scatter [tilespmem:s3], [sflag:$0x2], $0x10000, $0x38;
	[tilespmem:$0x14100] =	vst v63  }
0xf8: {  	_ =	swait.ge [sflag:s5], $0x10000  }
0xf9: {  	[sflag:s5] =	ssyncset.done $0x0;
	s7 =	rddreg [dreg:$0x13]  }
0xfa: {  	[sflag:s5] =	ssyncadd.s32 $0xFFFF0000;
	s7 =	sadd.s32 s21, s7  }
0xfb: {  	[tilespmem:s16], [sflag:$0x2] =	stream.linear.gather [hbm4b:s7+s6], $0x10, $0x38;
	[tilespmem:$0x14100] =	vst v63  }
0xfc: {  	_ =	swait.ge [sflag:s5], $0x10  }
0xfd: {  	[sflag:s5] =	ssyncset.done $0x0  }
0xfe: {  	[sflag:s5] =	ssyncadd.s32 $0xFFFFFFF0  }
0xff: {  	v3 =	vld [tilespmem:$0x80];
	_ =	sdelay $0x4  }
0x100: {  	v63 =	vshll.u32 v3, $0x5  }
0x101: {  	v3 =	vand.u32 $0x7, v3;
	v4 =	vand.u32 $0xFFFFFF00, v63  }
0x102: {  	v3 =	vor.u32 v3, v4  }
0x103: {  	v4 =	vperm.xlane v3, v0;
	_ =	sdelay $0x1  }
0x104: {  	v4 =	vadd.s32 v1, v4;
	_ =	sdelay $0x4  }
0x105: {  	[tilespmem:s3], [sflag:$0x1] =	stream.indirect_vreg.gather [hbm4b:s22+s6], $0x80, v4, vm0, $0xb8;
	[tilespmem:$0x14100] =	vst v63  }
0x106: {  	s3 =	simm.s32 $0x4900  }
0x107: {  	[tilespmem:s3], [sflag:$0x1] =	stream.indirect_vreg.gather [hbm4b:s9+s6], $0x80, v4, vm0, $0xb8;
	[tilespmem:$0x14100] =	vst v63  }
0x108: {  	s3 =	simm.s32 $0x5100  }
0x109: {  	[tilespmem:s3], [sflag:$0x1] =	stream.indirect_vreg.gather [hbm4b:s8+s6], $0x80, v4, vm0, $0xb8;
	[tilespmem:$0x14100] =	vst v63  }
0x10a: {  	s3 =	simm.s32 $0x5900  }
0x10b: {  	[tilespmem:s3], [sflag:$0x1] =	stream.indirect_vreg.gather [hbm4b:s11+s6], $0x80, v4, vm0, $0xb8;
	[tilespmem:$0x14100] =	vst v63  }
0x10c: {  	s3 =	simm.s32 $0x6100  }
0x10d: {  	[tilespmem:s3], [sflag:$0x1] =	stream.indirect_vreg.gather [hbm4b:s12+s6], $0x80, v4, vm0, $0xb8;
	[tilespmem:$0x14100] =	vst v63  }
0x10e: {  	s3 =	simm.s32 $0x6900  }
0x10f: {  	[tilespmem:s3], [sflag:$0x1] =	stream.indirect_vreg.gather [hbm4b:s13+s6], $0x80, v4, vm0, $0xb8;
	[tilespmem:$0x14100] =	vst v63  }
0x110: {  	s3 =	simm.s32 $0x7100  }
0x111: {  	[tilespmem:s3], [sflag:$0x1] =	stream.indirect_vreg.gather [hbm4b:s14+s6], $0x80, v4, vm0, $0xb8;
	[tilespmem:$0x14100] =	vst v63  }
0x112: {  	s3 =	simm.s32 $0x7900  }
0x113: {  	[tilespmem:s3], [sflag:$0x1] =	stream.indirect_vreg.gather [hbm4b:s15+s6], $0x80, v4, vm0, $0xb8;
	[tilespmem:$0x14100] =	vst v63  }
0x114: {  	s3 =	simm.s32 $0x8100  }
0x115: {  	[tilespmem:s3], [sflag:$0x1] =	stream.indirect_vreg.gather [hbm4b:s26+s6], $0x80, v4, vm0, $0xb8;
	[tilespmem:$0x14100] =	vst v63  }
0x116: {  	s3 =	simm.s32 $0x8900  }
0x117: {  	[tilespmem:s3], [sflag:$0x1] =	stream.indirect_vreg.gather [hbm4b:s28+s6], $0x80, v4, vm0, $0xb8;
	[tilespmem:$0x14100] =	vst v63  }
0x118: {  	s3 =	simm.s32 $0x9100  }
0x119: {  	[tilespmem:s3], [sflag:$0x1] =	stream.indirect_vreg.gather [hbm4b:s29+s6], $0x80, v4, vm0, $0xb8;
	[tilespmem:$0x14100] =	vst v63  }
0x11a: {  	s3 =	simm.s32 $0x9900  }
0x11b: {  	[tilespmem:s3], [sflag:$0x1] =	stream.indirect_vreg.gather [hbm4b:s30+s6], $0x80, v4, vm0, $0xb8;
	[tilespmem:$0x14100] =	vst v63  }
0x11c: {  	s3 =	simm.s32 $0xA100  }
0x11d: {  	[tilespmem:s3], [sflag:$0x1] =	stream.indirect_vreg.gather [hbm4b:s31+s6], $0x80, v4, vm0, $0xb8;
	[tilespmem:$0x14100] =	vst v63  }
0x11e: {  	v3 =	vperm.xlane v3, v2;
	s3 =	simm.s32 $0xA900  }
0x11f: {  	[tilespmem:s3], [sflag:$0x1] =	stream.indirect_vreg.gather [hbm4b:s0+s6], $0x80, v4, vm0, $0xb8;
	[tilespmem:$0x14100] =	vst v63  }
0x120: {  	v3 =	vadd.s32 v1, v3;
	s3 =	simm.s32 $0xB100  }
0x121: {  	[tilespmem:s3], [sflag:$0x1] =	stream.indirect_vreg.gather [hbm4b:s10+s6], $0x80, v4, vm0, $0xb8;
	[tilespmem:$0x14100] =	vst v63  }
0x122: {  	s3 =	simm.s32 $0xB900  }
0x123: {  	[tilespmem:s3], [sflag:$0x1] =	stream.indirect_vreg.gather [hbm4b:s1+s6], $0x80, v4, vm0, $0xb8;
	[tilespmem:$0x14100] =	vst v63  }
0x124: {  	s3 =	simm.s32 $0xC100  }
0x125: {  	[tilespmem:s3], [sflag:$0x1] =	stream.indirect_vreg.gather [hbm4b:s22+s6], $0x80, v3, vm0, $0xb8;
	[tilespmem:$0x14100] =	vst v63  }
0x126: {  	s22 =	simm.s32 $0xC900  }
0x127: {  	[tilespmem:s22], [sflag:$0x1] =	stream.indirect_vreg.gather [hbm4b:s9+s6], $0x80, v3, vm0, $0xb8;
	[tilespmem:$0x14100] =	vst v63  }
0x128: {  	s22 =	simm.s32 $0xD100  }
0x129: {  	[tilespmem:s22], [sflag:$0x1] =	stream.indirect_vreg.gather [hbm4b:s8+s6], $0x80, v3, vm0, $0xb8;
	[tilespmem:$0x14100] =	vst v63  }
0x12a: {  	s8 =	simm.s32 $0xD900  }
0x12b: {  	[tilespmem:s8], [sflag:$0x1] =	stream.indirect_vreg.gather [hbm4b:s11+s6], $0x80, v3, vm0, $0xb8;
	[tilespmem:$0x14100] =	vst v63  }
0x12c: {  	s9 =	simm.s32 $0xE100  }
0x12d: {  	[tilespmem:s9], [sflag:$0x1] =	stream.indirect_vreg.gather [hbm4b:s12+s6], $0x80, v3, vm0, $0xb8;
	[tilespmem:$0x14100] =	vst v63  }
0x12e: {  	s11 =	simm.s32 $0xE900  }
0x12f: {  	[tilespmem:s11], [sflag:$0x1] =	stream.indirect_vreg.gather [hbm4b:s13+s6], $0x80, v3, vm0, $0xb8;
	[tilespmem:$0x14100] =	vst v63  }
0x130: {  	s12 =	simm.s32 $0xF100  }
0x131: {  	[tilespmem:s12], [sflag:$0x1] =	stream.indirect_vreg.gather [hbm4b:s14+s6], $0x80, v3, vm0, $0xb8;
	[tilespmem:$0x14100] =	vst v63  }
0x132: {  	s13 =	simm.s32 $0xF900  }
0x133: {  	[tilespmem:s13], [sflag:$0x1] =	stream.indirect_vreg.gather [hbm4b:s15+s6], $0x80, v3, vm0, $0xb8;
	[tilespmem:$0x14100] =	vst v63  }
0x134: {  	s14 =	simm.s32 $0x10100  }
0x135: {  	[tilespmem:s14], [sflag:$0x1] =	stream.indirect_vreg.gather [hbm4b:s26+s6], $0x80, v3, vm0, $0xb8;
	[tilespmem:$0x14100] =	vst v63  }
0x136: {  	s15 =	simm.s32 $0x10900  }
0x137: {  	[tilespmem:s15], [sflag:$0x1] =	stream.indirect_vreg.gather [hbm4b:s28+s6], $0x80, v3, vm0, $0xb8;
	[tilespmem:$0x14100] =	vst v63  }
0x138: {  	s22 =	simm.s32 $0x11100  }
0x139: {  	[tilespmem:s22], [sflag:$0x1] =	stream.indirect_vreg.gather [hbm4b:s29+s6], $0x80, v3, vm0, $0xb8;
	[tilespmem:$0x14100] =	vst v63  }
0x13a: {  	s26 =	simm.s32 $0x11900  }
0x13b: {  	[tilespmem:s26], [sflag:$0x1] =	stream.indirect_vreg.gather [hbm4b:s30+s6], $0x80, v3, vm0, $0xb8;
	[tilespmem:$0x14100] =	vst v63  }
0x13c: {  	s28 =	simm.s32 $0x12100  }
0x13d: {  	[tilespmem:s28], [sflag:$0x1] =	stream.indirect_vreg.gather [hbm4b:s31+s6], $0x80, v3, vm0, $0xb8;
	[tilespmem:$0x14100] =	vst v63  }
0x13e: {  	s29 =	simm.s32 $0x12900  }
0x13f: {  	[tilespmem:s29], [sflag:$0x1] =	stream.indirect_vreg.gather [hbm4b:s0+s6], $0x80, v3, vm0, $0xb8;
	[tilespmem:$0x14100] =	vst v63  }
0x140: {  	s30 =	simm.s32 $0x13100  }
0x141: {  	[tilespmem:s30], [sflag:$0x1] =	stream.indirect_vreg.gather [hbm4b:s10+s6], $0x80, v3, vm0, $0xb8;
	[tilespmem:$0x14100] =	vst v63  }
0x142: {  	s31 =	simm.s32 $0x13900  }
0x143: {  	[tilespmem:s31], [sflag:$0x1] =	stream.indirect_vreg.gather [hbm4b:s1+s6], $0x80, v3, vm0, $0xb8;
	[tilespmem:$0x14100] =	vst v63  }
0x144: {  	_ =	swait.ge [sflag:s25], $0x10000  }
0x145: {  	p0 =	sne.s32 s21, $0x3E;
	[sflag:s25] =	ssyncset.done $0x0  }
.Ltmp1:
0x146: {  	s7 =	simm.s32 $0x4100;
	[sflag:s25] =	ssyncadd.s32 $0xFFFF0000;
	(pc) =	sbr.rel @p0 .LBB2_4-.Ltmp1, $4  }
0x147: {  	[hbm4b:s4+s6] =	stream.linear.scatter [tilespmem:s7], [sflag:$0x2], $0x10000, $0x38;
	[tilespmem:$0x14100] =	vst v63  }
0x148: {  	_ =	swait.ge [sflag:s5], $0x10000  }
0x149: {  	s20 =	sadd.s32 $0x2000, s20;
	[sflag:s5] =	ssyncset.done $0x0  }
0x14a: {  	s21 =	sadd.s32 $0x2, s21;
	s4 =	sadd.s32 $0x2000, s4;
	[sflag:s5] =	ssyncadd.s32 $0xFFFF0000  }
0x14b: {  	s0 =	rddreg [dreg:$0x1e]  }
0x14c: {  	s4 =	rddreg [dreg:$0x12];
	s0 =	sadd.s32 $0x1, s0  }
0x14d: {  	p0 =	sne.s32 s0, s4  }
.Ltmp2:
0x14e: {  	_ = 	snop;
	(pc) =	sbr.rel @p0 .LBB2_1-.Ltmp2, $4  }
0x14f: {  	s11 =	rddreg [dreg:$0x13]  }
0x150: {  	s10 =	rddreg [dreg:$0x14]  }
0x151: {  	s1 =	rddreg [dreg:$0x3]  }
0x152: {  	s3 =	rddreg [dreg:$0x5]  }
0x153: {  	_ =	sfence.sel $0x180000  }
0x154: {  	[bflag:$0x0] =	sbarrier.arrive $0xFFFF  }
0x155: {  	_ =	strace $0x90000047  }
0x156: {  	s0 =	stileid.u32;
	[bflag:$0x2] =	sbarrier.arrive $0xFFFF  }
0x157: {  	p0 =	sne.s32 s0, $0x0;
	s0 =	rddreg [dreg:$0x8]  }
0x158: {  	s0 =	sadd.s32 @!p0 $0x100000, s0  }
0x159: {  	[sflag:s0] =	ssyncadd.tile.s32 @!p0 $0x1;
	_ =	shalt  }
.Lfunc_end2:
_tile_overlayer_lowered:
.L_overlay_start_2:
0x15a: {  	(tag) =	ssettag $0x2  }
0x15b: {  	s0 =	rddreg [dreg:$0x0];
	s2 =	stileid.u32  }
0x15c: {  	s1 =	rddreg [dreg:$0x1];
	p0 =	sne.s32 s2, $0x0  }
0x15d: {  	s3 =	rddreg [dreg:$0x2];
	[bflag:$0x3] =	sbarrier.arrive $0xFFFF;
	s2 =	simm.s32 @!p0 $0x1C02  }
0x15e: {  	[timem:s3], [sflag:s2] =	dma.local @!p0 [hbm:s0], s1  }
0x15f: {  	s0 =	simm.s32 @!p0 $0x2  }
0x160: {  	_ =	swait.ge @!p0 [sflag:s0], s1  }
0x161: {  	s1 =	ssub.s32 @!p0 $0x0, s1;
	[sflag:s0] =	ssyncset.done @!p0 $0x0  }
0x162: {  	[sflag:s0] =	ssyncadd.s32 @!p0 s1  }
0x163: {  	[bflag:$0x3] =	sbarrier.arrive $0xFFFF  }
0x164: {  	_ =	shalt  }

</sc_bundles>
